<compile_context>
chip_gen: v7x
topology: tpu7x:2x2x1
jax: 0.10.2.dev20260603
libtpu: 0.0.44.dev20260713+nightly
codegen_flags: <defaults>
</compile_context>

<pallas_src>
import jax
import jax.numpy as jnp
from jax import lax
from jax.experimental import pallas as pl
from jax.experimental.pallas import tpu as pltpu
from jax.experimental.pallas import tpu_sc as plsc

N = 10000
E = 320000
D = 128
NC, NS = 2, 16
NW = NC * NS
CB = 128
CH = 80
HCH = 40
EP = NW * CH * CB
RPT = 640
NP = NS * RPT

_MESH = plsc.VectorSubcoreMesh(
    core_axis_name="c", subcore_axis_name="s", num_cores=NC, num_subcores=NS
)


def _hist_body(ei_ref, hs_ref, hd_ref, idx_v, hist_v):
    c = lax.axis_index("c")
    s = lax.axis_index("s")

    def zero(i, carry):
        hist_v[pl.ds(i * 16, 16)] = jnp.zeros((16,), jnp.float32)
        return carry

    lax.fori_loop(0, NP // 16, zero, 0)
    pltpu.sync_copy(ei_ref.at[c, s], idx_v)
    ones = jnp.ones((16,), jnp.float32)

    def chunk(j, carry):
        for k in range(CB // 16):
            idx16 = idx_v[j, pl.ds(k * 16, 16)]
            plsc.addupdate_scatter(hist_v, [idx16], ones)
        return carry

    lax.fori_loop(0, 2 * CH, chunk, 0)

    @pl.when(c == 0)
    def _():
        pltpu.sync_copy(hist_v, hs_ref.at[s])

    @pl.when(c == 1)
    def _():
        pltpu.sync_copy(hist_v, hd_ref.at[s])


_hist_kernel = pl.kernel(
    _hist_body,
    out_type=(
        jax.ShapeDtypeStruct((NS, NP), jnp.float32),
        jax.ShapeDtypeStruct((NS, NP), jnp.float32),
    ),
    mesh=_MESH,
    scratch_types=[
        pltpu.VMEM((2 * CH, CB), jnp.int32),
        pltpu.VMEM((NP,), jnp.float32),
    ],
    compiler_params=pltpu.CompilerParams(needs_layout_passes=False),
)


def _mm_body(x_ref, w_ref, hs_ref, hd_ref, y_ref, nrm_ref):
    ones_col = jnp.ones((NS, 1), jnp.float32)
    dn = (((0,), (0,)), ((), ()))
    outdeg = lax.dot_general(hs_ref[...], ones_col, dn,
                             preferred_element_type=jnp.float32)
    nsrc = lax.rsqrt(jnp.maximum(outdeg, 1.0))
    h = x_ref[...] * nsrc
    y_ref[...] = jnp.dot(h, w_ref[...], preferred_element_type=jnp.float32)
    indeg = lax.dot_general(hd_ref[...], ones_col, dn,
                            preferred_element_type=jnp.float32)
    ndst = lax.rsqrt(jnp.maximum(indeg, 1.0))
    nrm_ref[...] = jnp.broadcast_to(ndst, (NP, 8))


_mm_kernel = pl.pallas_call(
    _mm_body,
    out_shape=(
        jax.ShapeDtypeStruct((NP, D), jnp.float32),
        jax.ShapeDtypeStruct((NP, 8), jnp.float32),
    ),
)


def _mp_body(ei_ref, y_ref, zeros_ref, p0_ref, p1_ref,
             sidx, didx, rows_a, rows_b, acc_sh, sem):
    c = lax.axis_index("c")
    s = lax.axis_index("s")
    q = c * NS + s
    rows = pl.ds(s * RPT, RPT)
    pltpu.sync_copy(zeros_ref.at[rows], acc_sh.at[rows])
    plsc.subcore_barrier()

    bufs = (rows_a, rows_b)
    for h in range(CH // HCH):
        pltpu.sync_copy(ei_ref.at[0, q, pl.ds(h * HCH, HCH)], sidx)
        pltpu.sync_copy(ei_ref.at[1, q, pl.ds(h * HCH, HCH)], didx)
        pltpu.async_copy(y_ref.at[sidx.at[0]], rows_a, sem)

        def pair(g, carry):
            for bsel in range(2):
                j = 2 * g + bsel
                buf = bufs[bsel]

                @pl.when(j + 1 < HCH)
                def _():
                    pltpu.async_copy(
                        y_ref.at[sidx.at[j + 1]], bufs[1 - bsel], sem)

                pltpu.make_async_copy(y_ref.at[sidx.at[j]], buf, sem).wait()
                pltpu.sync_copy(buf, acc_sh.at[didx.at[j]], add=True)
            return carry

        lax.fori_loop(0, HCH // 2, pair, 0)
    plsc.subcore_barrier()

    @pl.when(c == 0)
    def _():
        pltpu.sync_copy(acc_sh.at[rows], p0_ref.at[rows])

    @pl.when(c == 1)
    def _():
        pltpu.sync_copy(acc_sh.at[rows], p1_ref.at[rows])


_mp_kernel = pl.kernel(
    _mp_body,
    out_type=(
        jax.ShapeDtypeStruct((NP, D), jnp.float32),
        jax.ShapeDtypeStruct((NP, D), jnp.float32),
    ),
    mesh=_MESH,
    scratch_types=[
        pltpu.VMEM((HCH, CB), jnp.int32),
        pltpu.VMEM((HCH, CB), jnp.int32),
        pltpu.VMEM((CB, D), jnp.float32),
        pltpu.VMEM((CB, D), jnp.float32),
        pltpu.VMEM_SHARED((NP, D), jnp.float32),
        pltpu.SemaphoreType.DMA,
    ],
)


def _fin_body(p0_ref, p1_ref, nrm_ref, b_ref, out_ref):
    nrm = nrm_ref[:, 0:1]
    b_row = b_ref[...].reshape(1, D)
    out_ref[...] = (p0_ref[...] + p1_ref[...]) * nrm + b_row


_fin_kernel = pl.pallas_call(
    _fin_body,
    out_shape=jax.ShapeDtypeStruct((NP, D), jnp.float32),
)


@jax.jit
def kernel(x, edge_index, W, b):
    ei = edge_index.astype(jnp.int32)
    pad_idx = N + jnp.arange(EP - E, dtype=jnp.int32) % (NP - N)
    pad_blk = jnp.broadcast_to(pad_idx, (2, EP - E))
    ei = jnp.concatenate([ei, pad_blk], axis=1)
    ei = ei.reshape(2, NW, CH, CB)
    x_pad = jnp.pad(x, ((0, NP - N), (0, 0)))
    zeros = jnp.zeros((NP, D), jnp.float32)

    ei_k1 = ei.reshape(2, NS, 2 * CH, CB)
    hs, hd = _hist_kernel(ei_k1)
    y, nrm8 = _mm_kernel(x_pad, W, hs, hd)
    p0, p1 = _mp_kernel(ei, y, zeros)
    out_pad = _fin_kernel(p0, p1, nrm8, b)
    return out_pad[:N]

# --- scband reference (transcript-rebuilt; emitter-appended) ---
"""Pipeline reference for scband-graph-classification-model-cross-entropy-66288525247278 (READ-ONLY COPY).

The authoritative reference and input builder live on the scoring server;
editing this copy changes nothing except your own understanding.
"""

import jax, jax.numpy as jnp
import numpy as np

N_NODES = 10000
N_EDGES = 320000
D_IN = 128
D_OUT = 128


def setup_inputs(seed: int = 0) -> dict:
    key = jax.random.key(seed)
    k1, k2, k3 = jax.random.split(key, 3)
    x = jax.random.normal(k1, (N_NODES, D_IN), dtype=jnp.float32)
    edge_index = jax.random.randint(k2, (2, N_EDGES), 0, N_NODES, dtype=jnp.int64)
    # GraphConv weight (xavier-like init) and bias
    W = jax.random.normal(k3, (D_IN, D_OUT), dtype=jnp.float32) * (1.0 / np.sqrt(D_IN))
    b = jnp.zeros((D_OUT,), dtype=jnp.float32)
    return {"x": x, "edge_index": edge_index, "W": W, "b": b}


def reference(x, edge_index, W, b):
    # DGL GraphConv, norm='both', allow_zero_in_degree=True:
    #   h = D_in^{-1/2} * A * (D_out^{-1/2} * x) * W + b
    src = edge_index[0]
    dst = edge_index[1]
    n = x.shape[0]
    ones = jnp.ones((src.shape[0],), dtype=x.dtype)
    out_deg = jax.ops.segment_sum(ones, src, num_segments=n)
    out_deg = jnp.clip(out_deg, 1.0, None)
    norm_src = jnp.power(out_deg, -0.5)
    h = x * norm_src[:, None]
    # message passing: copy_u + sum reduce (gather from src, scatter-add to dst)
    msgs = jnp.take(h, src, axis=0)
    agg = jax.ops.segment_sum(msgs, dst, num_segments=n)
    in_deg = jax.ops.segment_sum(ones, dst, num_segments=n)
    in_deg = jnp.clip(in_deg, 1.0, None)
    norm_dst = jnp.power(in_deg, -0.5)
    agg = agg * norm_dst[:, None]
    # in_dim == out_dim -> aggregate first, then weight (DGL order for in <= out)
    out = agg @ W + b
    return out

if __name__ == "__main__":
    import jax
    _d = setup_inputs()
    print(jax.jit(kernel)(*tuple(_d.values())))

</pallas_src>

<mosaic_0001>
#map = affine_map<(d0, d1) -> (0, 0, 0, 0)>
#map1 = affine_map<(d0, d1) -> (0, 0)>
module attributes {stable_mosaic.version = 14 : i64} {
  func.func @_hist_body(%arg0: i32, %arg1: i32, %arg2: memref<2x16x160x128xi32, #tpu.memory_space<hbm>>, %arg3: memref<16x10240xf32, #tpu.memory_space<hbm>>, %arg4: memref<16x10240xf32, #tpu.memory_space<hbm>>, %arg5: memref<160x128xi32, #tpu.memory_space<vmem>>, %arg6: memref<10240xf32, #tpu.memory_space<vmem>>) attributes {dimension_semantics = [#tpu.dimension_semantics<core_parallel>, #tpu.dimension_semantics<subcore_parallel>], iteration_bounds = array<i64: 2, 16>, scalar_prefetch = 0 : i64, scratch_operands = 2 : i64, tpu.core_type = #tpu.core_type<sc_vector_subcore>, window_params = [{transform_indices = #map}, {transform_indices = #map1}, {transform_indices = #map1}]} {
    %scan3A = arith.constant 0 : i32
    %scan3A_0 = arith.constant 0 : i32
    %scan3A_1 = arith.constant 640 : i32
    %scan3A_2 = arith.addi %scan3A_0, %scan3A_1 : i32
    %scan3A_3 = arith.constant 1 : i32
    scf.for %scan3A_19 = %scan3A_0 to %scan3A_2 step %scan3A_3  : i32 {
      %broadcast_in_dim3A_20 = arith.constant 0.000000e+00 : f32
      %broadcast_in_dim3A_21 = vector.broadcast %broadcast_in_dim3A_20 : f32 to vector<16xf32>
      %mul3A = arith.constant 16 : i32
      %mul3A_22 = arith.muli %scan3A_19, %mul3A : i32
      %swap3A = arith.index_cast %mul3A_22 : i32 to index
      %swap3A_23 = tpu.vector_load %arg6[%swap3A] {strides = array<i32>} : memref<10240xf32, #tpu.memory_space<vmem>>, vector<16xf32>,
      tpu.vector_store %arg6[%swap3A], %broadcast_in_dim3A_21 {strides = array<i32>} : memref<10240xf32, #tpu.memory_space<vmem>>, vector<16xf32>,
    }
    %scan3A_4 = arith.constant 640 : i32
    "tpu.region"() ({
      %run_scoped3A = tpu.sem_alloc : memref<!tpu.dma_semaphore, #tpu.memory_space<semaphore_mem>>
      %dma_start3A = arith.constant 0 : i32
      %dma_start3A_19 = arith.constant 0 : i32
      %dma_start3A_20 = tpu.memref_slice %arg2[%arg0, %arg1, %dma_start3A, %dma_start3A_19] : memref<2x16x160x128xi32, #tpu.memory_space<hbm>> -> memref<1x1x160x128xi32, #tpu.memory_space<hbm>>
      %dma_start3A_21 = tpu.memref_squeeze %dma_start3A_20 : memref<1x1x160x128xi32, #tpu.memory_space<hbm>> -> memref<160x128xi32, #tpu.memory_space<hbm>>
      %dma_start3A_22 = arith.constant 0 : i32
      %dma_start3A_23 = arith.constant 0 : i32
      %dma_start3A_24 = tpu.memref_slice %arg2[%arg0, %arg1, %dma_start3A_22, %dma_start3A_23] : memref<2x16x160x128xi32, #tpu.memory_space<hbm>> -> memref<1x1x160x128xi32, #tpu.memory_space<hbm>>
      %dma_start3A_25 = tpu.memref_squeeze %dma_start3A_24 : memref<1x1x160x128xi32, #tpu.memory_space<hbm>> -> memref<160x128xi32, #tpu.memory_space<hbm>>
      tpu.enqueue_dma source(%dma_start3A_25 : memref<160x128xi32, #tpu.memory_space<hbm>>) target(%arg5 : memref<160x128xi32, #tpu.memory_space<vmem>>) target_semaphore(%run_scoped3A : memref<!tpu.dma_semaphore, #tpu.memory_space<semaphore_mem>>)
      %dma_wait3A = arith.constant 0 : i32
      %dma_wait3A_26 = arith.constant 0 : i32
      %dma_wait3A_27 = tpu.memref_slice %arg2[%arg0, %arg1, %dma_wait3A, %dma_wait3A_26] : memref<2x16x160x128xi32, #tpu.memory_space<hbm>> -> memref<1x1x160x128xi32, #tpu.memory_space<hbm>>
      %dma_wait3A_28 = tpu.memref_squeeze %dma_wait3A_27 : memref<1x1x160x128xi32, #tpu.memory_space<hbm>> -> memref<160x128xi32, #tpu.memory_space<hbm>>
      %dma_wait3A_29 = arith.constant 0 : i32
      %dma_wait3A_30 = arith.constant 0 : i32
      %dma_wait3A_31 = tpu.memref_slice %arg2[%arg0, %arg1, %dma_wait3A_29, %dma_wait3A_30] : memref<2x16x160x128xi32, #tpu.memory_space<hbm>> -> memref<1x1x160x128xi32, #tpu.memory_space<hbm>>
      %dma_wait3A_32 = tpu.memref_squeeze %dma_wait3A_31 : memref<1x1x160x128xi32, #tpu.memory_space<hbm>> -> memref<160x128xi32, #tpu.memory_space<hbm>>
      tpu.wait_dma2 semaphore(%run_scoped3A : memref<!tpu.dma_semaphore, #tpu.memory_space<semaphore_mem>>) src(%dma_wait3A_32 : memref<160x128xi32, #tpu.memory_space<hbm>>) dst(%arg5 : memref<160x128xi32, #tpu.memory_space<vmem>>)
      tpu.yield
    }) : () -> ()
    %broadcast_in_dim3A = arith.constant 1.000000e+00 : f32
    %broadcast_in_dim3A_5 = vector.broadcast %broadcast_in_dim3A : f32 to vector<16xf32>
    %scan3A_6 = arith.constant 0 : i32
    %scan3A_7 = arith.constant 0 : i32
    %scan3A_8 = arith.constant 160 : i32
    %scan3A_9 = arith.addi %scan3A_7, %scan3A_8 : i32
    %scan3A_10 = arith.constant 1 : i32
    scf.for %scan3A_19 = %scan3A_7 to %scan3A_9 step %scan3A_10  : i32 {
      %get3A = arith.index_cast %scan3A_19 : i32 to index
      %get3A_20 = arith.constant 0 : index
      %get3A_21 = tpu.vector_load %arg5[%get3A, %get3A_20] {strides = array<i32>} : memref<160x128xi32, #tpu.memory_space<vmem>>, vector<16xi32>,
      tpu.vector_store_idx %arg6[%get3A_21], %broadcast_in_dim3A_5 {add = true} : memref<10240xf32, #tpu.memory_space<vmem>>[vector<16xi32>], vector<16xf32>,
      %get3A_22 = arith.index_cast %scan3A_19 : i32 to index
      %get3A_23 = arith.constant 16 : index
      %get3A_24 = tpu.vector_load %arg5[%get3A_22, %get3A_23] {strides = array<i32>} : memref<160x128xi32, #tpu.memory_space<vmem>>, vector<16xi32>,
      tpu.vector_store_idx %arg6[%get3A_24], %broadcast_in_dim3A_5 {add = true} : memref<10240xf32, #tpu.memory_space<vmem>>[vector<16xi32>], vector<16xf32>,
      %get3A_25 = arith.index_cast %scan3A_19 : i32 to index
      %get3A_26 = arith.constant 32 : index
      %get3A_27 = tpu.vector_load %arg5[%get3A_25, %get3A_26] {strides = array<i32>} : memref<160x128xi32, #tpu.memory_space<vmem>>, vector<16xi32>,
      tpu.vector_store_idx %arg6[%get3A_27], %broadcast_in_dim3A_5 {add = true} : memref<10240xf32, #tpu.memory_space<vmem>>[vector<16xi32>], vector<16xf32>,
      %get3A_28 = arith.index_cast %scan3A_19 : i32 to index
      %get3A_29 = arith.constant 48 : index
      %get3A_30 = tpu.vector_load %arg5[%get3A_28, %get3A_29] {strides = array<i32>} : memref<160x128xi32, #tpu.memory_space<vmem>>, vector<16xi32>,
      tpu.vector_store_idx %arg6[%get3A_30], %broadcast_in_dim3A_5 {add = true} : memref<10240xf32, #tpu.memory_space<vmem>>[vector<16xi32>], vector<16xf32>,
      %get3A_31 = arith.index_cast %scan3A_19 : i32 to index
      %get3A_32 = arith.constant 64 : index
      %get3A_33 = tpu.vector_load %arg5[%get3A_31, %get3A_32] {strides = array<i32>} : memref<160x128xi32, #tpu.memory_space<vmem>>, vector<16xi32>,
      tpu.vector_store_idx %arg6[%get3A_33], %broadcast_in_dim3A_5 {add = true} : memref<10240xf32, #tpu.memory_space<vmem>>[vector<16xi32>], vector<16xf32>,
      %get3A_34 = arith.index_cast %scan3A_19 : i32 to index
      %get3A_35 = arith.constant 80 : index
      %get3A_36 = tpu.vector_load %arg5[%get3A_34, %get3A_35] {strides = array<i32>} : memref<160x128xi32, #tpu.memory_space<vmem>>, vector<16xi32>,
      tpu.vector_store_idx %arg6[%get3A_36], %broadcast_in_dim3A_5 {add = true} : memref<10240xf32, #tpu.memory_space<vmem>>[vector<16xi32>], vector<16xf32>,
      %get3A_37 = arith.index_cast %scan3A_19 : i32 to index
      %get3A_38 = arith.constant 96 : index
      %get3A_39 = tpu.vector_load %arg5[%get3A_37, %get3A_38] {strides = array<i32>} : memref<160x128xi32, #tpu.memory_space<vmem>>, vector<16xi32>,
      tpu.vector_store_idx %arg6[%get3A_39], %broadcast_in_dim3A_5 {add = true} : memref<10240xf32, #tpu.memory_space<vmem>>[vector<16xi32>], vector<16xf32>,
      %get3A_40 = arith.index_cast %scan3A_19 : i32 to index
      %get3A_41 = arith.constant 112 : index
      %get3A_42 = tpu.vector_load %arg5[%get3A_40, %get3A_41] {strides = array<i32>} : memref<160x128xi32, #tpu.memory_space<vmem>>, vector<16xi32>,
      tpu.vector_store_idx %arg6[%get3A_42], %broadcast_in_dim3A_5 {add = true} : memref<10240xf32, #tpu.memory_space<vmem>>[vector<16xi32>], vector<16xf32>,
    }
    %scan3A_11 = arith.constant 160 : i32
    %eq3A = arith.constant 0 : i32
    %eq3A_12 = arith.cmpi eq, %arg0, %eq3A : i32
    %convert_element_type3A = arith.extui %eq3A_12 : i1 to i32
    %cond3A = arith.constant 0 : i32
    %cond3A_13 = arith.cmpi ne, %convert_element_type3A, %cond3A : i32
    scf.if %cond3A_13 {
      "tpu.region"() ({
        %run_scoped3A = tpu.sem_alloc : memref<!tpu.dma_semaphore, #tpu.memory_space<semaphore_mem>>
        %dma_start3A = arith.constant 0 : i32
        %dma_start3A_19 = tpu.memref_slice %arg3[%arg1, %dma_start3A] : memref<16x10240xf32, #tpu.memory_space<hbm>> -> memref<1x10240xf32, #tpu.memory_space<hbm>>
        %dma_start3A_20 = tpu.memref_squeeze %dma_start3A_19 : memref<1x10240xf32, #tpu.memory_space<hbm>> -> memref<10240xf32, #tpu.memory_space<hbm>>
        %dma_start3A_21 = arith.constant 0 : i32
        %dma_start3A_22 = tpu.memref_slice %arg3[%arg1, %dma_start3A_21] : memref<16x10240xf32, #tpu.memory_space<hbm>> -> memref<1x10240xf32, #tpu.memory_space<hbm>>
        %dma_start3A_23 = tpu.memref_squeeze %dma_start3A_22 : memref<1x10240xf32, #tpu.memory_space<hbm>> -> memref<10240xf32, #tpu.memory_space<hbm>>
        tpu.enqueue_dma source(%arg6 : memref<10240xf32, #tpu.memory_space<vmem>>) target(%dma_start3A_23 : memref<10240xf32, #tpu.memory_space<hbm>>) target_semaphore(%run_scoped3A : memref<!tpu.dma_semaphore, #tpu.memory_space<semaphore_mem>>)
        %dma_wait3A = arith.constant 0 : i32
        %dma_wait3A_24 = tpu.memref_slice %arg3[%arg1, %dma_wait3A] : memref<16x10240xf32, #tpu.memory_space<hbm>> -> memref<1x10240xf32, #tpu.memory_space<hbm>>
        %dma_wait3A_25 = tpu.memref_squeeze %dma_wait3A_24 : memref<1x10240xf32, #tpu.memory_space<hbm>> -> memref<10240xf32, #tpu.memory_space<hbm>>
        %dma_wait3A_26 = arith.constant 0 : i32
        %dma_wait3A_27 = tpu.memref_slice %arg3[%arg1, %dma_wait3A_26] : memref<16x10240xf32, #tpu.memory_space<hbm>> -> memref<1x10240xf32, #tpu.memory_space<hbm>>
        %dma_wait3A_28 = tpu.memref_squeeze %dma_wait3A_27 : memref<1x10240xf32, #tpu.memory_space<hbm>> -> memref<10240xf32, #tpu.memory_space<hbm>>
        tpu.wait_dma2 semaphore(%run_scoped3A : memref<!tpu.dma_semaphore, #tpu.memory_space<semaphore_mem>>) src(%arg6 : memref<10240xf32, #tpu.memory_space<vmem>>) dst(%dma_wait3A_28 : memref<10240xf32, #tpu.memory_space<hbm>>)
        tpu.yield
      }) : () -> ()
    } else {
    }
    %eq3A_14 = arith.constant 1 : i32
    %eq3A_15 = arith.cmpi eq, %arg0, %eq3A_14 : i32
    %convert_element_type3A_16 = arith.extui %eq3A_15 : i1 to i32
    %cond3A_17 = arith.constant 0 : i32
    %cond3A_18 = arith.cmpi ne, %convert_element_type3A_16, %cond3A_17 : i32
    scf.if %cond3A_18 {
      "tpu.region"() ({
        %run_scoped3A = tpu.sem_alloc : memref<!tpu.dma_semaphore, #tpu.memory_space<semaphore_mem>>
        %dma_start3A = arith.constant 0 : i32
        %dma_start3A_19 = tpu.memref_slice %arg4[%arg1, %dma_start3A] : memref<16x10240xf32, #tpu.memory_space<hbm>> -> memref<1x10240xf32, #tpu.memory_space<hbm>>
        %dma_start3A_20 = tpu.memref_squeeze %dma_start3A_19 : memref<1x10240xf32, #tpu.memory_space<hbm>> -> memref<10240xf32, #tpu.memory_space<hbm>>
        %dma_start3A_21 = arith.constant 0 : i32
        %dma_start3A_22 = tpu.memref_slice %arg4[%arg1, %dma_start3A_21] : memref<16x10240xf32, #tpu.memory_space<hbm>> -> memref<1x10240xf32, #tpu.memory_space<hbm>>
        %dma_start3A_23 = tpu.memref_squeeze %dma_start3A_22 : memref<1x10240xf32, #tpu.memory_space<hbm>> -> memref<10240xf32, #tpu.memory_space<hbm>>
        tpu.enqueue_dma source(%arg6 : memref<10240xf32, #tpu.memory_space<vmem>>) target(%dma_start3A_23 : memref<10240xf32, #tpu.memory_space<hbm>>) target_semaphore(%run_scoped3A : memref<!tpu.dma_semaphore, #tpu.memory_space<semaphore_mem>>)
        %dma_wait3A = arith.constant 0 : i32
        %dma_wait3A_24 = tpu.memref_slice %arg4[%arg1, %dma_wait3A] : memref<16x10240xf32, #tpu.memory_space<hbm>> -> memref<1x10240xf32, #tpu.memory_space<hbm>>
        %dma_wait3A_25 = tpu.memref_squeeze %dma_wait3A_24 : memref<1x10240xf32, #tpu.memory_space<hbm>> -> memref<10240xf32, #tpu.memory_space<hbm>>
        %dma_wait3A_26 = arith.constant 0 : i32
        %dma_wait3A_27 = tpu.memref_slice %arg4[%arg1, %dma_wait3A_26] : memref<16x10240xf32, #tpu.memory_space<hbm>> -> memref<1x10240xf32, #tpu.memory_space<hbm>>
        %dma_wait3A_28 = tpu.memref_squeeze %dma_wait3A_27 : memref<1x10240xf32, #tpu.memory_space<hbm>> -> memref<10240xf32, #tpu.memory_space<hbm>>
        tpu.wait_dma2 semaphore(%run_scoped3A : memref<!tpu.dma_semaphore, #tpu.memory_space<semaphore_mem>>) src(%arg6 : memref<10240xf32, #tpu.memory_space<vmem>>) dst(%dma_wait3A_28 : memref<10240xf32, #tpu.memory_space<hbm>>)
        tpu.yield
      }) : () -> ()
    } else {
    }
    return
  }
}

#map = affine_map<(d0, d1) -> (0, 0, 0, 0)>
#map1 = affine_map<(d0, d1) -> (0, 0)>
module attributes {stable_mosaic.version = 14 : i64} {
  func.func @_mp_body(%arg0: i32, %arg1: i32, %arg2: memref<2x32x80x128xi32, #tpu.memory_space<hbm>>, %arg3: memref<10240x128xf32, #tpu.memory_space<hbm>>, %arg4: memref<10240x128xf32, #tpu.memory_space<hbm>>, %arg5: memref<10240x128xf32, #tpu.memory_space<hbm>>, %arg6: memref<10240x128xf32, #tpu.memory_space<hbm>>, %arg7: memref<40x128xi32, #tpu.memory_space<vmem>>, %arg8: memref<40x128xi32, #tpu.memory_space<vmem>>, %arg9: memref<128x128xf32, #tpu.memory_space<vmem>>, %arg10: memref<128x128xf32, #tpu.memory_space<vmem>>, %arg11: memref<10240x128xf32, #tpu.memory_space<vmem_shared>>, %arg12: memref<!tpu.dma_semaphore, #tpu.memory_space<semaphore_mem>>) attributes {dimension_semantics = [#tpu.dimension_semantics<core_parallel>, #tpu.dimension_semantics<subcore_parallel>], iteration_bounds = array<i64: 2, 16>, scalar_prefetch = 0 : i64, scratch_operands = 6 : i64, tpu.core_type = #tpu.core_type<sc_vector_subcore>, window_params = [{transform_indices = #map}, {transform_indices = #map1}, {transform_indices = #map1}, {transform_indices = #map1}, {transform_indices = #map1}]} {
    %mul3A = arith.constant 16 : i32
    %mul3A_0 = arith.muli %arg0, %mul3A : i32
    %add3A = arith.addi %mul3A_0, %arg1 : i32
    %mul3A_1 = arith.constant 640 : i32
    %mul3A_2 = arith.muli %arg1, %mul3A_1 : i32
    "tpu.region"() ({
      %run_scoped3A_38 = tpu.sem_alloc : memref<!tpu.dma_semaphore, #tpu.memory_space<semaphore_mem>>
      %dma_start3A_39 = arith.constant 0 : i32
      %dma_start3A_40 = tpu.memref_slice %arg11[%mul3A_2, %dma_start3A_39] : memref<10240x128xf32, #tpu.memory_space<vmem_shared>> -> memref<640x128xf32, #tpu.memory_space<vmem_shared>>
      %dma_start3A_41 = arith.constant 0 : i32
      %dma_start3A_42 = tpu.memref_slice %arg4[%mul3A_2, %dma_start3A_41] : memref<10240x128xf32, #tpu.memory_space<hbm>> -> memref<640x128xf32, #tpu.memory_space<hbm>>
      tpu.enqueue_dma source(%dma_start3A_42 : memref<640x128xf32, #tpu.memory_space<hbm>>) target(%dma_start3A_40 : memref<640x128xf32, #tpu.memory_space<vmem_shared>>) target_semaphore(%run_scoped3A_38 : memref<!tpu.dma_semaphore, #tpu.memory_space<semaphore_mem>>)
      %dma_wait3A = arith.constant 0 : i32
      %dma_wait3A_43 = tpu.memref_slice %arg11[%mul3A_2, %dma_wait3A] : memref<10240x128xf32, #tpu.memory_space<vmem_shared>> -> memref<640x128xf32, #tpu.memory_space<vmem_shared>>
      %dma_wait3A_44 = arith.constant 0 : i32
      %dma_wait3A_45 = tpu.memref_slice %arg4[%mul3A_2, %dma_wait3A_44] : memref<10240x128xf32, #tpu.memory_space<hbm>> -> memref<640x128xf32, #tpu.memory_space<hbm>>
      tpu.wait_dma2 semaphore(%run_scoped3A_38 : memref<!tpu.dma_semaphore, #tpu.memory_space<semaphore_mem>>) src(%dma_wait3A_45 : memref<640x128xf32, #tpu.memory_space<hbm>>) dst(%dma_wait3A_43 : memref<640x128xf32, #tpu.memory_space<vmem_shared>>)
      tpu.yield
    }) : () -> ()
    %barrier3A = arith.constant 0 : index
    tpu.barrier barrier_id(%barrier3A)
    %run_scoped3A = arith.constant 0 : i32
    "tpu.region"() ({
      %run_scoped3A_38 = tpu.sem_alloc : memref<!tpu.dma_semaphore, #tpu.memory_space<semaphore_mem>>
      %dma_start3A_39 = arith.constant 0 : i32
      %dma_start3A_40 = arith.constant 0 : i32
      %dma_start3A_41 = tpu.memref_slice %arg2[%run_scoped3A, %add3A, %dma_start3A_39, %dma_start3A_40] : memref<2x32x80x128xi32, #tpu.memory_space<hbm>> -> memref<1x1x40x128xi32, #tpu.memory_space<hbm>>
      %dma_start3A_42 = tpu.memref_squeeze %dma_start3A_41 : memref<1x1x40x128xi32, #tpu.memory_space<hbm>> -> memref<40x128xi32, #tpu.memory_space<hbm>>
      %dma_start3A_43 = arith.constant 0 : i32
      %dma_start3A_44 = arith.constant 0 : i32
      %dma_start3A_45 = tpu.memref_slice %arg2[%run_scoped3A, %add3A, %dma_start3A_43, %dma_start3A_44] : memref<2x32x80x128xi32, #tpu.memory_space<hbm>> -> memref<1x1x40x128xi32, #tpu.memory_space<hbm>>
      %dma_start3A_46 = tpu.memref_squeeze %dma_start3A_45 : memref<1x1x40x128xi32, #tpu.memory_space<hbm>> -> memref<40x128xi32, #tpu.memory_space<hbm>>
      tpu.enqueue_dma source(%dma_start3A_46 : memref<40x128xi32, #tpu.memory_space<hbm>>) target(%arg7 : memref<40x128xi32, #tpu.memory_space<vmem>>) target_semaphore(%run_scoped3A_38 : memref<!tpu.dma_semaphore, #tpu.memory_space<semaphore_mem>>)
      %dma_wait3A = arith.constant 0 : i32
      %dma_wait3A_47 = arith.constant 0 : i32
      %dma_wait3A_48 = tpu.memref_slice %arg2[%run_scoped3A, %add3A, %dma_wait3A, %dma_wait3A_47] : memref<2x32x80x128xi32, #tpu.memory_space<hbm>> -> memref<1x1x40x128xi32, #tpu.memory_space<hbm>>
      %dma_wait3A_49 = tpu.memref_squeeze %dma_wait3A_48 : memref<1x1x40x128xi32, #tpu.memory_space<hbm>> -> memref<40x128xi32, #tpu.memory_space<hbm>>
      %dma_wait3A_50 = arith.constant 0 : i32
      %dma_wait3A_51 = arith.constant 0 : i32
      %dma_wait3A_52 = tpu.memref_slice %arg2[%run_scoped3A, %add3A, %dma_wait3A_50, %dma_wait3A_51] : memref<2x32x80x128xi32, #tpu.memory_space<hbm>> -> memref<1x1x40x128xi32, #tpu.memory_space<hbm>>
      %dma_wait3A_53 = tpu.memref_squeeze %dma_wait3A_52 : memref<1x1x40x128xi32, #tpu.memory_space<hbm>> -> memref<40x128xi32, #tpu.memory_space<hbm>>
      tpu.wait_dma2 semaphore(%run_scoped3A_38 : memref<!tpu.dma_semaphore, #tpu.memory_space<semaphore_mem>>) src(%dma_wait3A_53 : memref<40x128xi32, #tpu.memory_space<hbm>>) dst(%arg7 : memref<40x128xi32, #tpu.memory_space<vmem>>)
      tpu.yield
    }) : () -> ()
    %run_scoped3A_3 = arith.constant 1 : i32
    "tpu.region"() ({
      %run_scoped3A_38 = tpu.sem_alloc : memref<!tpu.dma_semaphore, #tpu.memory_space<semaphore_mem>>
      %dma_start3A_39 = arith.constant 0 : i32
      %dma_start3A_40 = arith.constant 0 : i32
      %dma_start3A_41 = tpu.memref_slice %arg2[%run_scoped3A_3, %add3A, %dma_start3A_39, %dma_start3A_40] : memref<2x32x80x128xi32, #tpu.memory_space<hbm>> -> memref<1x1x40x128xi32, #tpu.memory_space<hbm>>
      %dma_start3A_42 = tpu.memref_squeeze %dma_start3A_41 : memref<1x1x40x128xi32, #tpu.memory_space<hbm>> -> memref<40x128xi32, #tpu.memory_space<hbm>>
      %dma_start3A_43 = arith.constant 0 : i32
      %dma_start3A_44 = arith.constant 0 : i32
      %dma_start3A_45 = tpu.memref_slice %arg2[%run_scoped3A_3, %add3A, %dma_start3A_43, %dma_start3A_44] : memref<2x32x80x128xi32, #tpu.memory_space<hbm>> -> memref<1x1x40x128xi32, #tpu.memory_space<hbm>>
      %dma_start3A_46 = tpu.memref_squeeze %dma_start3A_45 : memref<1x1x40x128xi32, #tpu.memory_space<hbm>> -> memref<40x128xi32, #tpu.memory_space<hbm>>
      tpu.enqueue_dma source(%dma_start3A_46 : memref<40x128xi32, #tpu.memory_space<hbm>>) target(%arg8 : memref<40x128xi32, #tpu.memory_space<vmem>>) target_semaphore(%run_scoped3A_38 : memref<!tpu.dma_semaphore, #tpu.memory_space<semaphore_mem>>)
      %dma_wait3A = arith.constant 0 : i32
      %dma_wait3A_47 = arith.constant 0 : i32
      %dma_wait3A_48 = tpu.memref_slice %arg2[%run_scoped3A_3, %add3A, %dma_wait3A, %dma_wait3A_47] : memref<2x32x80x128xi32, #tpu.memory_space<hbm>> -> memref<1x1x40x128xi32, #tpu.memory_space<hbm>>
      %dma_wait3A_49 = tpu.memref_squeeze %dma_wait3A_48 : memref<1x1x40x128xi32, #tpu.memory_space<hbm>> -> memref<40x128xi32, #tpu.memory_space<hbm>>
      %dma_wait3A_50 = arith.constant 0 : i32
      %dma_wait3A_51 = arith.constant 0 : i32
      %dma_wait3A_52 = tpu.memref_slice %arg2[%run_scoped3A_3, %add3A, %dma_wait3A_50, %dma_wait3A_51] : memref<2x32x80x128xi32, #tpu.memory_space<hbm>> -> memref<1x1x40x128xi32, #tpu.memory_space<hbm>>
      %dma_wait3A_53 = tpu.memref_squeeze %dma_wait3A_52 : memref<1x1x40x128xi32, #tpu.memory_space<hbm>> -> memref<40x128xi32, #tpu.memory_space<hbm>>
      tpu.wait_dma2 semaphore(%run_scoped3A_38 : memref<!tpu.dma_semaphore, #tpu.memory_space<semaphore_mem>>) src(%dma_wait3A_53 : memref<40x128xi32, #tpu.memory_space<hbm>>) dst(%arg8 : memref<40x128xi32, #tpu.memory_space<vmem>>)
      tpu.yield
    }) : () -> ()
    %dma_start3A = arith.constant 0 : i32
    %dma_start3A_4 = arith.constant 0 : i32
    %dma_start3A_5 = tpu.memref_slice %arg7[%dma_start3A, %dma_start3A_4] : memref<40x128xi32, #tpu.memory_space<vmem>> -> memref<1x128xi32, #tpu.memory_space<vmem>>
    %dma_start3A_6 = tpu.memref_squeeze %dma_start3A_5 : memref<1x128xi32, #tpu.memory_space<vmem>> -> memref<128xi32, #tpu.memory_space<vmem>>
    %dma_start3A_7 = arith.constant 0 : i32
    %dma_start3A_8 = arith.constant 0 : i32
    %dma_start3A_9 = tpu.memref_slice %arg3[%dma_start3A_7, %dma_start3A_8] : memref<10240x128xf32, #tpu.memory_space<hbm>> -> memref<10240x128xf32, #tpu.memory_space<hbm>>
    tpu.enqueue_indirect_dma source(%dma_start3A_9 : memref<10240x128xf32, #tpu.memory_space<hbm>>) target(%arg9 : memref<128x128xf32, #tpu.memory_space<vmem>>) offsets(%dma_start3A_6 : memref<128xi32, #tpu.memory_space<vmem>>) semaphore(%arg12 : memref<!tpu.dma_semaphore, #tpu.memory_space<semaphore_mem>>)
    %scan3A = arith.constant 0 : i32
    %scan3A_10 = arith.constant 0 : i32
    %scan3A_11 = arith.constant 20 : i32
    %scan3A_12 = arith.addi %scan3A_10, %scan3A_11 : i32
    %scan3A_13 = arith.constant 1 : i32
    scf.for %scan3A_38 = %scan3A_10 to %scan3A_12 step %scan3A_13  : i32 {
      %mul3A_39 = arith.constant 2 : i32
      %mul3A_40 = arith.muli %mul3A_39, %scan3A_38 : i32
      %add3A_41 = arith.constant 0 : i32
      %add3A_42 = arith.addi %mul3A_40, %add3A_41 : i32
      %add3A_43 = arith.constant 1 : i32
      %add3A_44 = arith.addi %add3A_42, %add3A_43 : i32
      %lt3A = arith.constant 40 : i32
      %lt3A_45 = arith.cmpi slt, %add3A_44, %lt3A : i32
      %convert_element_type3A_46 = arith.extui %lt3A_45 : i1 to i32
      %cond3A_47 = arith.constant 0 : i32
      %cond3A_48 = arith.cmpi ne, %convert_element_type3A_46, %cond3A_47 : i32
      scf.if %cond3A_48 {
        %add3A_71 = arith.constant 1 : i32
        %add3A_72 = arith.addi %add3A_42, %add3A_71 : i32
        %dma_start3A_73 = arith.constant 0 : i32
        %dma_start3A_74 = tpu.memref_slice %arg7[%add3A_72, %dma_start3A_73] : memref<40x128xi32, #tpu.memory_space<vmem>> -> memref<1x128xi32, #tpu.memory_space<vmem>>
        %dma_start3A_75 = tpu.memref_squeeze %dma_start3A_74 : memref<1x128xi32, #tpu.memory_space<vmem>> -> memref<128xi32, #tpu.memory_space<vmem>>
        %dma_start3A_76 = arith.constant 0 : i32
        %dma_start3A_77 = arith.constant 0 : i32
        %dma_start3A_78 = tpu.memref_slice %arg3[%dma_start3A_76, %dma_start3A_77] : memref<10240x128xf32, #tpu.memory_space<hbm>> -> memref<10240x128xf32, #tpu.memory_space<hbm>>
        tpu.enqueue_indirect_dma source(%dma_start3A_78 : memref<10240x128xf32, #tpu.memory_space<hbm>>) target(%arg10 : memref<128x128xf32, #tpu.memory_space<vmem>>) offsets(%dma_start3A_75 : memref<128xi32, #tpu.memory_space<vmem>>) semaphore(%arg12 : memref<!tpu.dma_semaphore, #tpu.memory_space<semaphore_mem>>)
      } else {
      }
      %dma_wait3A = arith.constant 0 : i32
      %dma_wait3A_49 = tpu.memref_slice %arg7[%add3A_42, %dma_wait3A] : memref<40x128xi32, #tpu.memory_space<vmem>> -> memref<1x128xi32, #tpu.memory_space<vmem>>
      %dma_wait3A_50 = tpu.memref_squeeze %dma_wait3A_49 : memref<1x128xi32, #tpu.memory_space<vmem>> -> memref<128xi32, #tpu.memory_space<vmem>>
      %dma_wait3A_51 = arith.constant 0 : i32
      %dma_wait3A_52 = arith.constant 0 : i32
      %dma_wait3A_53 = tpu.memref_slice %arg3[%dma_wait3A_51, %dma_wait3A_52] : memref<10240x128xf32, #tpu.memory_space<hbm>> -> memref<10240x128xf32, #tpu.memory_space<hbm>>
      tpu.wait_indirect_dma semaphore(%arg12 : memref<!tpu.dma_semaphore, #tpu.memory_space<semaphore_mem>>) src(%dma_wait3A_53 : memref<10240x128xf32, #tpu.memory_space<hbm>>) dst(%arg9 : memref<128x128xf32, #tpu.memory_space<vmem>>)
      "tpu.region"() ({
        %run_scoped3A_71 = tpu.sem_alloc : memref<!tpu.dma_semaphore, #tpu.memory_space<semaphore_mem>>
        %dma_start3A_72 = arith.constant 0 : i32
        %dma_start3A_73 = tpu.memref_slice %arg8[%add3A_42, %dma_start3A_72] : memref<40x128xi32, #tpu.memory_space<vmem>> -> memref<1x128xi32, #tpu.memory_space<vmem>>
        %dma_start3A_74 = tpu.memref_squeeze %dma_start3A_73 : memref<1x128xi32, #tpu.memory_space<vmem>> -> memref<128xi32, #tpu.memory_space<vmem>>
        %dma_start3A_75 = arith.constant 0 : i32
        %dma_start3A_76 = arith.constant 0 : i32
        %dma_start3A_77 = tpu.memref_slice %arg11[%dma_start3A_75, %dma_start3A_76] : memref<10240x128xf32, #tpu.memory_space<vmem_shared>> -> memref<10240x128xf32, #tpu.memory_space<vmem_shared>>
        tpu.enqueue_indirect_dma source(%arg9 : memref<128x128xf32, #tpu.memory_space<vmem>>) target(%dma_start3A_77 : memref<10240x128xf32, #tpu.memory_space<vmem_shared>>) offsets(%dma_start3A_74 : memref<128xi32, #tpu.memory_space<vmem>>) semaphore(%run_scoped3A_71 : memref<!tpu.dma_semaphore, #tpu.memory_space<semaphore_mem>>) {add = true}
        %dma_wait3A_78 = arith.constant 0 : i32
        %dma_wait3A_79 = tpu.memref_slice %arg8[%add3A_42, %dma_wait3A_78] : memref<40x128xi32, #tpu.memory_space<vmem>> -> memref<1x128xi32, #tpu.memory_space<vmem>>
        %dma_wait3A_80 = tpu.memref_squeeze %dma_wait3A_79 : memref<1x128xi32, #tpu.memory_space<vmem>> -> memref<128xi32, #tpu.memory_space<vmem>>
        %dma_wait3A_81 = arith.constant 0 : i32
        %dma_wait3A_82 = arith.constant 0 : i32
        %dma_wait3A_83 = tpu.memref_slice %arg11[%dma_wait3A_81, %dma_wait3A_82] : memref<10240x128xf32, #tpu.memory_space<vmem_shared>> -> memref<10240x128xf32, #tpu.memory_space<vmem_shared>>
        tpu.wait_indirect_dma semaphore(%run_scoped3A_71 : memref<!tpu.dma_semaphore, #tpu.memory_space<semaphore_mem>>) src(%arg9 : memref<128x128xf32, #tpu.memory_space<vmem>>) dst(%dma_wait3A_83 : memref<10240x128xf32, #tpu.memory_space<vmem_shared>>)
        tpu.yield
      }) : () -> ()
      %mul3A_54 = arith.constant 2 : i32
      %mul3A_55 = arith.muli %mul3A_54, %scan3A_38 : i32
      %add3A_56 = arith.constant 1 : i32
      %add3A_57 = arith.addi %mul3A_55, %add3A_56 : i32
      %add3A_58 = arith.constant 1 : i32
      %add3A_59 = arith.addi %add3A_57, %add3A_58 : i32
      %lt3A_60 = arith.constant 40 : i32
      %lt3A_61 = arith.cmpi slt, %add3A_59, %lt3A_60 : i32
      %convert_element_type3A_62 = arith.extui %lt3A_61 : i1 to i32
      %cond3A_63 = arith.constant 0 : i32
      %cond3A_64 = arith.cmpi ne, %convert_element_type3A_62, %cond3A_63 : i32
      scf.if %cond3A_64 {
        %add3A_71 = arith.constant 1 : i32
        %add3A_72 = arith.addi %add3A_57, %add3A_71 : i32
        %dma_start3A_73 = arith.constant 0 : i32
        %dma_start3A_74 = tpu.memref_slice %arg7[%add3A_72, %dma_start3A_73] : memref<40x128xi32, #tpu.memory_space<vmem>> -> memref<1x128xi32, #tpu.memory_space<vmem>>
        %dma_start3A_75 = tpu.memref_squeeze %dma_start3A_74 : memref<1x128xi32, #tpu.memory_space<vmem>> -> memref<128xi32, #tpu.memory_space<vmem>>
        %dma_start3A_76 = arith.constant 0 : i32
        %dma_start3A_77 = arith.constant 0 : i32
        %dma_start3A_78 = tpu.memref_slice %arg3[%dma_start3A_76, %dma_start3A_77] : memref<10240x128xf32, #tpu.memory_space<hbm>> -> memref<10240x128xf32, #tpu.memory_space<hbm>>
        tpu.enqueue_indirect_dma source(%dma_start3A_78 : memref<10240x128xf32, #tpu.memory_space<hbm>>) target(%arg9 : memref<128x128xf32, #tpu.memory_space<vmem>>) offsets(%dma_start3A_75 : memref<128xi32, #tpu.memory_space<vmem>>) semaphore(%arg12 : memref<!tpu.dma_semaphore, #tpu.memory_space<semaphore_mem>>)
      } else {
      }
      %dma_wait3A_65 = arith.constant 0 : i32
      %dma_wait3A_66 = tpu.memref_slice %arg7[%add3A_57, %dma_wait3A_65] : memref<40x128xi32, #tpu.memory_space<vmem>> -> memref<1x128xi32, #tpu.memory_space<vmem>>
      %dma_wait3A_67 = tpu.memref_squeeze %dma_wait3A_66 : memref<1x128xi32, #tpu.memory_space<vmem>> -> memref<128xi32, #tpu.memory_space<vmem>>
      %dma_wait3A_68 = arith.constant 0 : i32
      %dma_wait3A_69 = arith.constant 0 : i32
      %dma_wait3A_70 = tpu.memref_slice %arg3[%dma_wait3A_68, %dma_wait3A_69] : memref<10240x128xf32, #tpu.memory_space<hbm>> -> memref<10240x128xf32, #tpu.memory_space<hbm>>
      tpu.wait_indirect_dma semaphore(%arg12 : memref<!tpu.dma_semaphore, #tpu.memory_space<semaphore_mem>>) src(%dma_wait3A_70 : memref<10240x128xf32, #tpu.memory_space<hbm>>) dst(%arg10 : memref<128x128xf32, #tpu.memory_space<vmem>>)
      "tpu.region"() ({
        %run_scoped3A_71 = tpu.sem_alloc : memref<!tpu.dma_semaphore, #tpu.memory_space<semaphore_mem>>
        %dma_start3A_72 = arith.constant 0 : i32
        %dma_start3A_73 = tpu.memref_slice %arg8[%add3A_57, %dma_start3A_72] : memref<40x128xi32, #tpu.memory_space<vmem>> -> memref<1x128xi32, #tpu.memory_space<vmem>>
        %dma_start3A_74 = tpu.memref_squeeze %dma_start3A_73 : memref<1x128xi32, #tpu.memory_space<vmem>> -> memref<128xi32, #tpu.memory_space<vmem>>
        %dma_start3A_75 = arith.constant 0 : i32
        %dma_start3A_76 = arith.constant 0 : i32
        %dma_start3A_77 = tpu.memref_slice %arg11[%dma_start3A_75, %dma_start3A_76] : memref<10240x128xf32, #tpu.memory_space<vmem_shared>> -> memref<10240x128xf32, #tpu.memory_space<vmem_shared>>
        tpu.enqueue_indirect_dma source(%arg10 : memref<128x128xf32, #tpu.memory_space<vmem>>) target(%dma_start3A_77 : memref<10240x128xf32, #tpu.memory_space<vmem_shared>>) offsets(%dma_start3A_74 : memref<128xi32, #tpu.memory_space<vmem>>) semaphore(%run_scoped3A_71 : memref<!tpu.dma_semaphore, #tpu.memory_space<semaphore_mem>>) {add = true}
        %dma_wait3A_78 = arith.constant 0 : i32
        %dma_wait3A_79 = tpu.memref_slice %arg8[%add3A_57, %dma_wait3A_78] : memref<40x128xi32, #tpu.memory_space<vmem>> -> memref<1x128xi32, #tpu.memory_space<vmem>>
        %dma_wait3A_80 = tpu.memref_squeeze %dma_wait3A_79 : memref<1x128xi32, #tpu.memory_space<vmem>> -> memref<128xi32, #tpu.memory_space<vmem>>
        %dma_wait3A_81 = arith.constant 0 : i32
        %dma_wait3A_82 = arith.constant 0 : i32
        %dma_wait3A_83 = tpu.memref_slice %arg11[%dma_wait3A_81, %dma_wait3A_82] : memref<10240x128xf32, #tpu.memory_space<vmem_shared>> -> memref<10240x128xf32, #tpu.memory_space<vmem_shared>>
        tpu.wait_indirect_dma semaphore(%run_scoped3A_71 : memref<!tpu.dma_semaphore, #tpu.memory_space<semaphore_mem>>) src(%arg10 : memref<128x128xf32, #tpu.memory_space<vmem>>) dst(%dma_wait3A_83 : memref<10240x128xf32, #tpu.memory_space<vmem_shared>>)
        tpu.yield
      }) : () -> ()
    }
    %scan3A_14 = arith.constant 20 : i32
    %run_scoped3A_15 = arith.constant 0 : i32
    "tpu.region"() ({
      %run_scoped3A_38 = tpu.sem_alloc : memref<!tpu.dma_semaphore, #tpu.memory_space<semaphore_mem>>
      %dma_start3A_39 = arith.constant 40 : i32
      %dma_start3A_40 = arith.constant 0 : i32
      %dma_start3A_41 = tpu.memref_slice %arg2[%run_scoped3A_15, %add3A, %dma_start3A_39, %dma_start3A_40] : memref<2x32x80x128xi32, #tpu.memory_space<hbm>> -> memref<1x1x40x128xi32, #tpu.memory_space<hbm>>
      %dma_start3A_42 = tpu.memref_squeeze %dma_start3A_41 : memref<1x1x40x128xi32, #tpu.memory_space<hbm>> -> memref<40x128xi32, #tpu.memory_space<hbm>>
      %dma_start3A_43 = arith.constant 40 : i32
      %dma_start3A_44 = arith.constant 0 : i32
      %dma_start3A_45 = tpu.memref_slice %arg2[%run_scoped3A_15, %add3A, %dma_start3A_43, %dma_start3A_44] : memref<2x32x80x128xi32, #tpu.memory_space<hbm>> -> memref<1x1x40x128xi32, #tpu.memory_space<hbm>>
      %dma_start3A_46 = tpu.memref_squeeze %dma_start3A_45 : memref<1x1x40x128xi32, #tpu.memory_space<hbm>> -> memref<40x128xi32, #tpu.memory_space<hbm>>
      tpu.enqueue_dma source(%dma_start3A_46 : memref<40x128xi32, #tpu.memory_space<hbm>>) target(%arg7 : memref<40x128xi32, #tpu.memory_space<vmem>>) target_semaphore(%run_scoped3A_38 : memref<!tpu.dma_semaphore, #tpu.memory_space<semaphore_mem>>)
      %dma_wait3A = arith.constant 40 : i32
      %dma_wait3A_47 = arith.constant 0 : i32
      %dma_wait3A_48 = tpu.memref_slice %arg2[%run_scoped3A_15, %add3A, %dma_wait3A, %dma_wait3A_47] : memref<2x32x80x128xi32, #tpu.memory_space<hbm>> -> memref<1x1x40x128xi32, #tpu.memory_space<hbm>>
      %dma_wait3A_49 = tpu.memref_squeeze %dma_wait3A_48 : memref<1x1x40x128xi32, #tpu.memory_space<hbm>> -> memref<40x128xi32, #tpu.memory_space<hbm>>
      %dma_wait3A_50 = arith.constant 40 : i32
      %dma_wait3A_51 = arith.constant 0 : i32
      %dma_wait3A_52 = tpu.memref_slice %arg2[%run_scoped3A_15, %add3A, %dma_wait3A_50, %dma_wait3A_51] : memref<2x32x80x128xi32, #tpu.memory_space<hbm>> -> memref<1x1x40x128xi32, #tpu.memory_space<hbm>>
      %dma_wait3A_53 = tpu.memref_squeeze %dma_wait3A_52 : memref<1x1x40x128xi32, #tpu.memory_space<hbm>> -> memref<40x128xi32, #tpu.memory_space<hbm>>
      tpu.wait_dma2 semaphore(%run_scoped3A_38 : memref<!tpu.dma_semaphore, #tpu.memory_space<semaphore_mem>>) src(%dma_wait3A_53 : memref<40x128xi32, #tpu.memory_space<hbm>>) dst(%arg7 : memref<40x128xi32, #tpu.memory_space<vmem>>)
      tpu.yield
    }) : () -> ()
    %run_scoped3A_16 = arith.constant 1 : i32
    "tpu.region"() ({
      %run_scoped3A_38 = tpu.sem_alloc : memref<!tpu.dma_semaphore, #tpu.memory_space<semaphore_mem>>
      %dma_start3A_39 = arith.constant 40 : i32
      %dma_start3A_40 = arith.constant 0 : i32
      %dma_start3A_41 = tpu.memref_slice %arg2[%run_scoped3A_16, %add3A, %dma_start3A_39, %dma_start3A_40] : memref<2x32x80x128xi32, #tpu.memory_space<hbm>> -> memref<1x1x40x128xi32, #tpu.memory_space<hbm>>
      %dma_start3A_42 = tpu.memref_squeeze %dma_start3A_41 : memref<1x1x40x128xi32, #tpu.memory_space<hbm>> -> memref<40x128xi32, #tpu.memory_space<hbm>>
      %dma_start3A_43 = arith.constant 40 : i32
      %dma_start3A_44 = arith.constant 0 : i32
      %dma_start3A_45 = tpu.memref_slice %arg2[%run_scoped3A_16, %add3A, %dma_start3A_43, %dma_start3A_44] : memref<2x32x80x128xi32, #tpu.memory_space<hbm>> -> memref<1x1x40x128xi32, #tpu.memory_space<hbm>>
      %dma_start3A_46 = tpu.memref_squeeze %dma_start3A_45 : memref<1x1x40x128xi32, #tpu.memory_space<hbm>> -> memref<40x128xi32, #tpu.memory_space<hbm>>
      tpu.enqueue_dma source(%dma_start3A_46 : memref<40x128xi32, #tpu.memory_space<hbm>>) target(%arg8 : memref<40x128xi32, #tpu.memory_space<vmem>>) target_semaphore(%run_scoped3A_38 : memref<!tpu.dma_semaphore, #tpu.memory_space<semaphore_mem>>)
      %dma_wait3A = arith.constant 40 : i32
      %dma_wait3A_47 = arith.constant 0 : i32
      %dma_wait3A_48 = tpu.memref_slice %arg2[%run_scoped3A_16, %add3A, %dma_wait3A, %dma_wait3A_47] : memref<2x32x80x128xi32, #tpu.memory_space<hbm>> -> memref<1x1x40x128xi32, #tpu.memory_space<hbm>>
      %dma_wait3A_49 = tpu.memref_squeeze %dma_wait3A_48 : memref<1x1x40x128xi32, #tpu.memory_space<hbm>> -> memref<40x128xi32, #tpu.memory_space<hbm>>
      %dma_wait3A_50 = arith.constant 40 : i32
      %dma_wait3A_51 = arith.constant 0 : i32
      %dma_wait3A_52 = tpu.memref_slice %arg2[%run_scoped3A_16, %add3A, %dma_wait3A_50, %dma_wait3A_51] : memref<2x32x80x128xi32, #tpu.memory_space<hbm>> -> memref<1x1x40x128xi32, #tpu.memory_space<hbm>>
      %dma_wait3A_53 = tpu.memref_squeeze %dma_wait3A_52 : memref<1x1x40x128xi32, #tpu.memory_space<hbm>> -> memref<40x128xi32, #tpu.memory_space<hbm>>
      tpu.wait_dma2 semaphore(%run_scoped3A_38 : memref<!tpu.dma_semaphore, #tpu.memory_space<semaphore_mem>>) src(%dma_wait3A_53 : memref<40x128xi32, #tpu.memory_space<hbm>>) dst(%arg8 : memref<40x128xi32, #tpu.memory_space<vmem>>)
      tpu.yield
    }) : () -> ()
    %dma_start3A_17 = arith.constant 0 : i32
    %dma_start3A_18 = arith.constant 0 : i32
    %dma_start3A_19 = tpu.memref_slice %arg7[%dma_start3A_17, %dma_start3A_18] : memref<40x128xi32, #tpu.memory_space<vmem>> -> memref<1x128xi32, #tpu.memory_space<vmem>>
    %dma_start3A_20 = tpu.memref_squeeze %dma_start3A_19 : memref<1x128xi32, #tpu.memory_space<vmem>> -> memref<128xi32, #tpu.memory_space<vmem>>
    %dma_start3A_21 = arith.constant 0 : i32
    %dma_start3A_22 = arith.constant 0 : i32
    %dma_start3A_23 = tpu.memref_slice %arg3[%dma_start3A_21, %dma_start3A_22] : memref<10240x128xf32, #tpu.memory_space<hbm>> -> memref<10240x128xf32, #tpu.memory_space<hbm>>
    tpu.enqueue_indirect_dma source(%dma_start3A_23 : memref<10240x128xf32, #tpu.memory_space<hbm>>) target(%arg9 : memref<128x128xf32, #tpu.memory_space<vmem>>) offsets(%dma_start3A_20 : memref<128xi32, #tpu.memory_space<vmem>>) semaphore(%arg12 : memref<!tpu.dma_semaphore, #tpu.memory_space<semaphore_mem>>)
    %scan3A_24 = arith.constant 0 : i32
    %scan3A_25 = arith.constant 0 : i32
    %scan3A_26 = arith.constant 20 : i32
    %scan3A_27 = arith.addi %scan3A_25, %scan3A_26 : i32
    %scan3A_28 = arith.constant 1 : i32
    scf.for %scan3A_38 = %scan3A_25 to %scan3A_27 step %scan3A_28  : i32 {
      %mul3A_39 = arith.constant 2 : i32
      %mul3A_40 = arith.muli %mul3A_39, %scan3A_38 : i32
      %add3A_41 = arith.constant 0 : i32
      %add3A_42 = arith.addi %mul3A_40, %add3A_41 : i32
      %add3A_43 = arith.constant 1 : i32
      %add3A_44 = arith.addi %add3A_42, %add3A_43 : i32
      %lt3A = arith.constant 40 : i32
      %lt3A_45 = arith.cmpi slt, %add3A_44, %lt3A : i32
      %convert_element_type3A_46 = arith.extui %lt3A_45 : i1 to i32
      %cond3A_47 = arith.constant 0 : i32
      %cond3A_48 = arith.cmpi ne, %convert_element_type3A_46, %cond3A_47 : i32
      scf.if %cond3A_48 {
        %add3A_71 = arith.constant 1 : i32
        %add3A_72 = arith.addi %add3A_42, %add3A_71 : i32
        %dma_start3A_73 = arith.constant 0 : i32
        %dma_start3A_74 = tpu.memref_slice %arg7[%add3A_72, %dma_start3A_73] : memref<40x128xi32, #tpu.memory_space<vmem>> -> memref<1x128xi32, #tpu.memory_space<vmem>>
        %dma_start3A_75 = tpu.memref_squeeze %dma_start3A_74 : memref<1x128xi32, #tpu.memory_space<vmem>> -> memref<128xi32, #tpu.memory_space<vmem>>
        %dma_start3A_76 = arith.constant 0 : i32
        %dma_start3A_77 = arith.constant 0 : i32
        %dma_start3A_78 = tpu.memref_slice %arg3[%dma_start3A_76, %dma_start3A_77] : memref<10240x128xf32, #tpu.memory_space<hbm>> -> memref<10240x128xf32, #tpu.memory_space<hbm>>
        tpu.enqueue_indirect_dma source(%dma_start3A_78 : memref<10240x128xf32, #tpu.memory_space<hbm>>) target(%arg10 : memref<128x128xf32, #tpu.memory_space<vmem>>) offsets(%dma_start3A_75 : memref<128xi32, #tpu.memory_space<vmem>>) semaphore(%arg12 : memref<!tpu.dma_semaphore, #tpu.memory_space<semaphore_mem>>)
      } else {
      }
      %dma_wait3A = arith.constant 0 : i32
      %dma_wait3A_49 = tpu.memref_slice %arg7[%add3A_42, %dma_wait3A] : memref<40x128xi32, #tpu.memory_space<vmem>> -> memref<1x128xi32, #tpu.memory_space<vmem>>
      %dma_wait3A_50 = tpu.memref_squeeze %dma_wait3A_49 : memref<1x128xi32, #tpu.memory_space<vmem>> -> memref<128xi32, #tpu.memory_space<vmem>>
      %dma_wait3A_51 = arith.constant 0 : i32
      %dma_wait3A_52 = arith.constant 0 : i32
      %dma_wait3A_53 = tpu.memref_slice %arg3[%dma_wait3A_51, %dma_wait3A_52] : memref<10240x128xf32, #tpu.memory_space<hbm>> -> memref<10240x128xf32, #tpu.memory_space<hbm>>
      tpu.wait_indirect_dma semaphore(%arg12 : memref<!tpu.dma_semaphore, #tpu.memory_space<semaphore_mem>>) src(%dma_wait3A_53 : memref<10240x128xf32, #tpu.memory_space<hbm>>) dst(%arg9 : memref<128x128xf32, #tpu.memory_space<vmem>>)
      "tpu.region"() ({
        %run_scoped3A_71 = tpu.sem_alloc : memref<!tpu.dma_semaphore, #tpu.memory_space<semaphore_mem>>
        %dma_start3A_72 = arith.constant 0 : i32
        %dma_start3A_73 = tpu.memref_slice %arg8[%add3A_42, %dma_start3A_72] : memref<40x128xi32, #tpu.memory_space<vmem>> -> memref<1x128xi32, #tpu.memory_space<vmem>>
        %dma_start3A_74 = tpu.memref_squeeze %dma_start3A_73 : memref<1x128xi32, #tpu.memory_space<vmem>> -> memref<128xi32, #tpu.memory_space<vmem>>
        %dma_start3A_75 = arith.constant 0 : i32
        %dma_start3A_76 = arith.constant 0 : i32
        %dma_start3A_77 = tpu.memref_slice %arg11[%dma_start3A_75, %dma_start3A_76] : memref<10240x128xf32, #tpu.memory_space<vmem_shared>> -> memref<10240x128xf32, #tpu.memory_space<vmem_shared>>
        tpu.enqueue_indirect_dma source(%arg9 : memref<128x128xf32, #tpu.memory_space<vmem>>) target(%dma_start3A_77 : memref<10240x128xf32, #tpu.memory_space<vmem_shared>>) offsets(%dma_start3A_74 : memref<128xi32, #tpu.memory_space<vmem>>) semaphore(%run_scoped3A_71 : memref<!tpu.dma_semaphore, #tpu.memory_space<semaphore_mem>>) {add = true}
        %dma_wait3A_78 = arith.constant 0 : i32
        %dma_wait3A_79 = tpu.memref_slice %arg8[%add3A_42, %dma_wait3A_78] : memref<40x128xi32, #tpu.memory_space<vmem>> -> memref<1x128xi32, #tpu.memory_space<vmem>>
        %dma_wait3A_80 = tpu.memref_squeeze %dma_wait3A_79 : memref<1x128xi32, #tpu.memory_space<vmem>> -> memref<128xi32, #tpu.memory_space<vmem>>
        %dma_wait3A_81 = arith.constant 0 : i32
        %dma_wait3A_82 = arith.constant 0 : i32
        %dma_wait3A_83 = tpu.memref_slice %arg11[%dma_wait3A_81, %dma_wait3A_82] : memref<10240x128xf32, #tpu.memory_space<vmem_shared>> -> memref<10240x128xf32, #tpu.memory_space<vmem_shared>>
        tpu.wait_indirect_dma semaphore(%run_scoped3A_71 : memref<!tpu.dma_semaphore, #tpu.memory_space<semaphore_mem>>) src(%arg9 : memref<128x128xf32, #tpu.memory_space<vmem>>) dst(%dma_wait3A_83 : memref<10240x128xf32, #tpu.memory_space<vmem_shared>>)
        tpu.yield
      }) : () -> ()
      %mul3A_54 = arith.constant 2 : i32
      %mul3A_55 = arith.muli %mul3A_54, %scan3A_38 : i32
      %add3A_56 = arith.constant 1 : i32
      %add3A_57 = arith.addi %mul3A_55, %add3A_56 : i32
      %add3A_58 = arith.constant 1 : i32
      %add3A_59 = arith.addi %add3A_57, %add3A_58 : i32
      %lt3A_60 = arith.constant 40 : i32
      %lt3A_61 = arith.cmpi slt, %add3A_59, %lt3A_60 : i32
      %convert_element_type3A_62 = arith.extui %lt3A_61 : i1 to i32
      %cond3A_63 = arith.constant 0 : i32
      %cond3A_64 = arith.cmpi ne, %convert_element_type3A_62, %cond3A_63 : i32
      scf.if %cond3A_64 {
        %add3A_71 = arith.constant 1 : i32
        %add3A_72 = arith.addi %add3A_57, %add3A_71 : i32
        %dma_start3A_73 = arith.constant 0 : i32
        %dma_start3A_74 = tpu.memref_slice %arg7[%add3A_72, %dma_start3A_73] : memref<40x128xi32, #tpu.memory_space<vmem>> -> memref<1x128xi32, #tpu.memory_space<vmem>>
        %dma_start3A_75 = tpu.memref_squeeze %dma_start3A_74 : memref<1x128xi32, #tpu.memory_space<vmem>> -> memref<128xi32, #tpu.memory_space<vmem>>
        %dma_start3A_76 = arith.constant 0 : i32
        %dma_start3A_77 = arith.constant 0 : i32
        %dma_start3A_78 = tpu.memref_slice %arg3[%dma_start3A_76, %dma_start3A_77] : memref<10240x128xf32, #tpu.memory_space<hbm>> -> memref<10240x128xf32, #tpu.memory_space<hbm>>
        tpu.enqueue_indirect_dma source(%dma_start3A_78 : memref<10240x128xf32, #tpu.memory_space<hbm>>) target(%arg9 : memref<128x128xf32, #tpu.memory_space<vmem>>) offsets(%dma_start3A_75 : memref<128xi32, #tpu.memory_space<vmem>>) semaphore(%arg12 : memref<!tpu.dma_semaphore, #tpu.memory_space<semaphore_mem>>)
      } else {
      }
      %dma_wait3A_65 = arith.constant 0 : i32
      %dma_wait3A_66 = tpu.memref_slice %arg7[%add3A_57, %dma_wait3A_65] : memref<40x128xi32, #tpu.memory_space<vmem>> -> memref<1x128xi32, #tpu.memory_space<vmem>>
      %dma_wait3A_67 = tpu.memref_squeeze %dma_wait3A_66 : memref<1x128xi32, #tpu.memory_space<vmem>> -> memref<128xi32, #tpu.memory_space<vmem>>
      %dma_wait3A_68 = arith.constant 0 : i32
      %dma_wait3A_69 = arith.constant 0 : i32
      %dma_wait3A_70 = tpu.memref_slice %arg3[%dma_wait3A_68, %dma_wait3A_69] : memref<10240x128xf32, #tpu.memory_space<hbm>> -> memref<10240x128xf32, #tpu.memory_space<hbm>>
      tpu.wait_indirect_dma semaphore(%arg12 : memref<!tpu.dma_semaphore, #tpu.memory_space<semaphore_mem>>) src(%dma_wait3A_70 : memref<10240x128xf32, #tpu.memory_space<hbm>>) dst(%arg10 : memref<128x128xf32, #tpu.memory_space<vmem>>)
      "tpu.region"() ({
        %run_scoped3A_71 = tpu.sem_alloc : memref<!tpu.dma_semaphore, #tpu.memory_space<semaphore_mem>>
        %dma_start3A_72 = arith.constant 0 : i32
        %dma_start3A_73 = tpu.memref_slice %arg8[%add3A_57, %dma_start3A_72] : memref<40x128xi32, #tpu.memory_space<vmem>> -> memref<1x128xi32, #tpu.memory_space<vmem>>
        %dma_start3A_74 = tpu.memref_squeeze %dma_start3A_73 : memref<1x128xi32, #tpu.memory_space<vmem>> -> memref<128xi32, #tpu.memory_space<vmem>>
        %dma_start3A_75 = arith.constant 0 : i32
        %dma_start3A_76 = arith.constant 0 : i32
        %dma_start3A_77 = tpu.memref_slice %arg11[%dma_start3A_75, %dma_start3A_76] : memref<10240x128xf32, #tpu.memory_space<vmem_shared>> -> memref<10240x128xf32, #tpu.memory_space<vmem_shared>>
        tpu.enqueue_indirect_dma source(%arg10 : memref<128x128xf32, #tpu.memory_space<vmem>>) target(%dma_start3A_77 : memref<10240x128xf32, #tpu.memory_space<vmem_shared>>) offsets(%dma_start3A_74 : memref<128xi32, #tpu.memory_space<vmem>>) semaphore(%run_scoped3A_71 : memref<!tpu.dma_semaphore, #tpu.memory_space<semaphore_mem>>) {add = true}
        %dma_wait3A_78 = arith.constant 0 : i32
        %dma_wait3A_79 = tpu.memref_slice %arg8[%add3A_57, %dma_wait3A_78] : memref<40x128xi32, #tpu.memory_space<vmem>> -> memref<1x128xi32, #tpu.memory_space<vmem>>
        %dma_wait3A_80 = tpu.memref_squeeze %dma_wait3A_79 : memref<1x128xi32, #tpu.memory_space<vmem>> -> memref<128xi32, #tpu.memory_space<vmem>>
        %dma_wait3A_81 = arith.constant 0 : i32
        %dma_wait3A_82 = arith.constant 0 : i32
        %dma_wait3A_83 = tpu.memref_slice %arg11[%dma_wait3A_81, %dma_wait3A_82] : memref<10240x128xf32, #tpu.memory_space<vmem_shared>> -> memref<10240x128xf32, #tpu.memory_space<vmem_shared>>
        tpu.wait_indirect_dma semaphore(%run_scoped3A_71 : memref<!tpu.dma_semaphore, #tpu.memory_space<semaphore_mem>>) src(%arg10 : memref<128x128xf32, #tpu.memory_space<vmem>>) dst(%dma_wait3A_83 : memref<10240x128xf32, #tpu.memory_space<vmem_shared>>)
        tpu.yield
      }) : () -> ()
    }
    %scan3A_29 = arith.constant 20 : i32
    %barrier3A_30 = arith.constant 0 : index
    tpu.barrier barrier_id(%barrier3A_30)
    %eq3A = arith.constant 0 : i32
    %eq3A_31 = arith.cmpi eq, %arg0, %eq3A : i32
    %convert_element_type3A = arith.extui %eq3A_31 : i1 to i32
    %cond3A = arith.constant 0 : i32
    %cond3A_32 = arith.cmpi ne, %convert_element_type3A, %cond3A : i32
    scf.if %cond3A_32 {
      "tpu.region"() ({
        %run_scoped3A_38 = tpu.sem_alloc : memref<!tpu.dma_semaphore, #tpu.memory_space<semaphore_mem>>
        %dma_start3A_39 = arith.constant 0 : i32
        %dma_start3A_40 = tpu.memref_slice %arg5[%mul3A_2, %dma_start3A_39] : memref<10240x128xf32, #tpu.memory_space<hbm>> -> memref<640x128xf32, #tpu.memory_space<hbm>>
        %dma_start3A_41 = arith.constant 0 : i32
        %dma_start3A_42 = tpu.memref_slice %arg11[%mul3A_2, %dma_start3A_41] : memref<10240x128xf32, #tpu.memory_space<vmem_shared>> -> memref<640x128xf32, #tpu.memory_space<vmem_shared>>
        tpu.enqueue_dma source(%dma_start3A_42 : memref<640x128xf32, #tpu.memory_space<vmem_shared>>) target(%dma_start3A_40 : memref<640x128xf32, #tpu.memory_space<hbm>>) target_semaphore(%run_scoped3A_38 : memref<!tpu.dma_semaphore, #tpu.memory_space<semaphore_mem>>)
        %dma_wait3A = arith.constant 0 : i32
        %dma_wait3A_43 = tpu.memref_slice %arg5[%mul3A_2, %dma_wait3A] : memref<10240x128xf32, #tpu.memory_space<hbm>> -> memref<640x128xf32, #tpu.memory_space<hbm>>
        %dma_wait3A_44 = arith.constant 0 : i32
        %dma_wait3A_45 = tpu.memref_slice %arg11[%mul3A_2, %dma_wait3A_44] : memref<10240x128xf32, #tpu.memory_space<vmem_shared>> -> memref<640x128xf32, #tpu.memory_space<vmem_shared>>
        tpu.wait_dma2 semaphore(%run_scoped3A_38 : memref<!tpu.dma_semaphore, #tpu.memory_space<semaphore_mem>>) src(%dma_wait3A_45 : memref<640x128xf32, #tpu.memory_space<vmem_shared>>) dst(%dma_wait3A_43 : memref<640x128xf32, #tpu.memory_space<hbm>>)
        tpu.yield
      }) : () -> ()
    } else {
    }
    %eq3A_33 = arith.constant 1 : i32
    %eq3A_34 = arith.cmpi eq, %arg0, %eq3A_33 : i32
    %convert_element_type3A_35 = arith.extui %eq3A_34 : i1 to i32
    %cond3A_36 = arith.constant 0 : i32
    %cond3A_37 = arith.cmpi ne, %convert_element_type3A_35, %cond3A_36 : i32
    scf.if %cond3A_37 {
      "tpu.region"() ({
        %run_scoped3A_38 = tpu.sem_alloc : memref<!tpu.dma_semaphore, #tpu.memory_space<semaphore_mem>>
        %dma_start3A_39 = arith.constant 0 : i32
        %dma_start3A_40 = tpu.memref_slice %arg6[%mul3A_2, %dma_start3A_39] : memref<10240x128xf32, #tpu.memory_space<hbm>> -> memref<640x128xf32, #tpu.memory_space<hbm>>
        %dma_start3A_41 = arith.constant 0 : i32
        %dma_start3A_42 = tpu.memref_slice %arg11[%mul3A_2, %dma_start3A_41] : memref<10240x128xf32, #tpu.memory_space<vmem_shared>> -> memref<640x128xf32, #tpu.memory_space<vmem_shared>>
        tpu.enqueue_dma source(%dma_start3A_42 : memref<640x128xf32, #tpu.memory_space<vmem_shared>>) target(%dma_start3A_40 : memref<640x128xf32, #tpu.memory_space<hbm>>) target_semaphore(%run_scoped3A_38 : memref<!tpu.dma_semaphore, #tpu.memory_space<semaphore_mem>>)
        %dma_wait3A = arith.constant 0 : i32
        %dma_wait3A_43 = tpu.memref_slice %arg6[%mul3A_2, %dma_wait3A] : memref<10240x128xf32, #tpu.memory_space<hbm>> -> memref<640x128xf32, #tpu.memory_space<hbm>>
        %dma_wait3A_44 = arith.constant 0 : i32
        %dma_wait3A_45 = tpu.memref_slice %arg11[%mul3A_2, %dma_wait3A_44] : memref<10240x128xf32, #tpu.memory_space<vmem_shared>> -> memref<640x128xf32, #tpu.memory_space<vmem_shared>>
        tpu.wait_dma2 semaphore(%run_scoped3A_38 : memref<!tpu.dma_semaphore, #tpu.memory_space<semaphore_mem>>) src(%dma_wait3A_45 : memref<640x128xf32, #tpu.memory_space<vmem_shared>>) dst(%dma_wait3A_43 : memref<640x128xf32, #tpu.memory_space<hbm>>)
        tpu.yield
      }) : () -> ()
    } else {
    }
    return
  }
}

module attributes {stable_mosaic.version = 14 : i64} {
  func.func @_mm_body(%arg0: memref<10240x128xf32, #tpu.memory_space<vmem>>, %arg1: memref<128x128xf32, #tpu.memory_space<vmem>>, %arg2: memref<16x10240xf32, #tpu.memory_space<vmem>>, %arg3: memref<16x10240xf32, #tpu.memory_space<vmem>>, %arg4: memref<10240x128xf32, #tpu.memory_space<vmem>>, %arg5: memref<10240x8xf32, #tpu.memory_space<vmem>>) attributes {dimension_semantics = [], scalar_prefetch = 0 : i64, scratch_operands = 0 : i64, tpu.core_type = #tpu.core_type<tc>} {
    %broadcast_in_dim3A = arith.constant 1.000000e+00 : f32
    %broadcast_in_dim3A_0 = vector.broadcast %broadcast_in_dim3A : f32 to vector<16x1xf32>
    %get3A = arith.constant 0 : index
    %get3A_1 = arith.constant 0 : index
    %get3A_2 = vector.load %arg2[%get3A, %get3A_1] : memref<16x10240xf32, #tpu.memory_space<vmem>>, vector<16x10240xf32>
    %dot_general3A = arith.constant dense<0.000000e+00> : vector<10240x1xf32>
    %dot_general3A_3 = tpu.matmul %get3A_2, %broadcast_in_dim3A_0, %dot_general3A {dimension_numbers = #tpu.dot_dimension_numbers<[0], [0], [1], [1], [0, 1, 1, 1], [], []>, transpose_lhs_hint = false} : vector<16x10240xf32>, vector<16x1xf32>, vector<10240x1xf32> -> vector<10240x1xf32>
    %max3A = arith.constant 1.000000e+00 : f32
    %max3A_4 = vector.broadcast %max3A : f32 to vector<10240x1xf32>
    %max3A_5 = arith.maximumf %dot_general3A_3, %max3A_4 : vector<10240x1xf32>
    %rsqrt3A = math.rsqrt %max3A_5 : vector<10240x1xf32>
    %get3A_6 = arith.constant 0 : index
    %get3A_7 = arith.constant 0 : index
    %get3A_8 = vector.load %arg0[%get3A_6, %get3A_7] : memref<10240x128xf32, #tpu.memory_space<vmem>>, vector<10240x128xf32>
    %mul3A = vector.broadcast %rsqrt3A : vector<10240x1xf32> to vector<10240x128xf32>
    %mul3A_9 = arith.mulf %get3A_8, %mul3A : vector<10240x128xf32>
    %get3A_10 = arith.constant 0 : index
    %get3A_11 = arith.constant 0 : index
    %get3A_12 = vector.load %arg1[%get3A_10, %get3A_11] : memref<128x128xf32, #tpu.memory_space<vmem>>, vector<128x128xf32>
    %dot_general3A_13 = arith.constant dense<0.000000e+00> : vector<10240x128xf32>
    %dot_general3A_14 = tpu.matmul %mul3A_9, %get3A_12, %dot_general3A_13 {dimension_numbers = #tpu.dot_dimension_numbers<[1], [0], [0], [1], [0, 0, 1, 1], [], []>, transpose_lhs_hint = false} : vector<10240x128xf32>, vector<128x128xf32>, vector<10240x128xf32> -> vector<10240x128xf32>
    %swap3A = arith.constant 0 : index
    %swap3A_15 = arith.constant 0 : index
    %swap3A_16 = vector.load %arg4[%swap3A, %swap3A_15] : memref<10240x128xf32, #tpu.memory_space<vmem>>, vector<10240x128xf32>
    tpu.vector_store %arg4[%swap3A, %swap3A_15], %dot_general3A_14 {strides = array<i32>} : memref<10240x128xf32, #tpu.memory_space<vmem>>, vector<10240x128xf32>,
    %get3A_17 = arith.constant 0 : index
    %get3A_18 = arith.constant 0 : index
    %get3A_19 = vector.load %arg3[%get3A_17, %get3A_18] : memref<16x10240xf32, #tpu.memory_space<vmem>>, vector<16x10240xf32>
    %dot_general3A_20 = arith.constant dense<0.000000e+00> : vector<10240x1xf32>
    %dot_general3A_21 = tpu.matmul %get3A_19, %broadcast_in_dim3A_0, %dot_general3A_20 {dimension_numbers = #tpu.dot_dimension_numbers<[0], [0], [1], [1], [0, 1, 1, 1], [], []>, transpose_lhs_hint = false} : vector<16x10240xf32>, vector<16x1xf32>, vector<10240x1xf32> -> vector<10240x1xf32>
    %max3A_22 = arith.constant 1.000000e+00 : f32
    %max3A_23 = vector.broadcast %max3A_22 : f32 to vector<10240x1xf32>
    %max3A_24 = arith.maximumf %dot_general3A_21, %max3A_23 : vector<10240x1xf32>
    %rsqrt3A_25 = math.rsqrt %max3A_24 : vector<10240x1xf32>
    %broadcast_in_dim3A_26 = vector.shape_cast %rsqrt3A_25 : vector<10240x1xf32> to vector<10240x1xf32>
    %broadcast_in_dim3A_27 = vector.broadcast %broadcast_in_dim3A_26 : vector<10240x1xf32> to vector<10240x8xf32>
    %swap3A_28 = arith.constant 0 : index
    %swap3A_29 = arith.constant 0 : index
    %swap3A_30 = vector.load %arg5[%swap3A_28, %swap3A_29] : memref<10240x8xf32, #tpu.memory_space<vmem>>, vector<10240x8xf32>
    tpu.vector_store %arg5[%swap3A_28, %swap3A_29], %broadcast_in_dim3A_27 {strides = array<i32>} : memref<10240x8xf32, #tpu.memory_space<vmem>>, vector<10240x8xf32>,
    return
  }
}

module attributes {stable_mosaic.version = 14 : i64} {
  func.func @_fin_body(%arg0: memref<10240x128xf32, #tpu.memory_space<vmem>>, %arg1: memref<10240x128xf32, #tpu.memory_space<vmem>>, %arg2: memref<10240x8xf32, #tpu.memory_space<vmem>>, %arg3: memref<128xf32, #tpu.memory_space<vmem>>, %arg4: memref<10240x128xf32, #tpu.memory_space<vmem>>) attributes {dimension_semantics = [], scalar_prefetch = 0 : i64, scratch_operands = 0 : i64, tpu.core_type = #tpu.core_type<tc>} {
    %get3A = arith.constant 0 : index
    %get3A_0 = arith.constant 0 : index
    %get3A_1 = vector.load %arg2[%get3A, %get3A_0] : memref<10240x8xf32, #tpu.memory_space<vmem>>, vector<10240x1xf32>
    %get3A_2 = arith.constant 0 : index
    %get3A_3 = vector.load %arg3[%get3A_2] : memref<128xf32, #tpu.memory_space<vmem>>, vector<128xf32>
    %reshape3A = vector.shape_cast %get3A_3 : vector<128xf32> to vector<1x128xf32>
    %get3A_4 = arith.constant 0 : index
    %get3A_5 = arith.constant 0 : index
    %get3A_6 = vector.load %arg0[%get3A_4, %get3A_5] : memref<10240x128xf32, #tpu.memory_space<vmem>>, vector<10240x128xf32>
    %get3A_7 = arith.constant 0 : index
    %get3A_8 = arith.constant 0 : index
    %get3A_9 = vector.load %arg1[%get3A_7, %get3A_8] : memref<10240x128xf32, #tpu.memory_space<vmem>>, vector<10240x128xf32>
    %add3A = arith.addf %get3A_6, %get3A_9 : vector<10240x128xf32>
    %mul3A = vector.broadcast %get3A_1 : vector<10240x1xf32> to vector<10240x128xf32>
    %mul3A_10 = arith.mulf %add3A, %mul3A : vector<10240x128xf32>
    %add3A_11 = vector.broadcast %reshape3A : vector<1x128xf32> to vector<10240x128xf32>
    %add3A_12 = arith.addf %mul3A_10, %add3A_11 : vector<10240x128xf32>
    %swap3A = arith.constant 0 : index
    %swap3A_13 = arith.constant 0 : index
    %swap3A_14 = vector.load %arg4[%swap3A, %swap3A_13] : memref<10240x128xf32, #tpu.memory_space<vmem>>, vector<10240x128xf32>
    tpu.vector_store %arg4[%swap3A, %swap3A_13], %add3A_12 {strides = array<i32>} : memref<10240x128xf32, #tpu.memory_space<vmem>>, vector<10240x128xf32>,
    return
  }
}

</mosaic_0001>

<sc_bundles>
// kernel: kernel.6.cloned.1.call-start
scs
__scs_entry_jumppad:
0x0: {  	(pc) =	sbr.rel $0x88, $3  }
0x1: {  	(tag) =	ssettag $0x0;
	lr =	simm.s32 $0x1  }
0x2: {  	[smem:$0x3F9D] =	sst lr;
	_ =	strace $0xD0000000  }
0x3: {  	_ = 	snop  }
0x4: {  	_ = 	snop  }
0x5: {  	_ = 	snop  }
0x6: {  	_ = 	snop  }
0x7: {  	_ = 	snop  }
__scs_overlays_trampoline_lowered:
0x8: {  	[smem:$0x3FAC] =	sst s0  }
0x9: {  	[smem:$0x3FAD] =	sst s1  }
0xa: {  	[smem:$0x3FAE] =	sst s2  }
0xb: {  	[smem:$0x3FAF] =	sst s3  }
0xc: {  	[smem:$0x3FB0] =	sst s4  }
0xd: {  	[smem:$0x3FB1] =	sst s5  }
0xe: {  	[smem:$0x3FB2] =	sst s6  }
0xf: {  	[smem:$0x3FB3] =	sst s7  }
0x10: {  	[smem:$0x3FB4] =	sst s8  }
0x11: {  	[smem:$0x3FB5] =	sst s9;
	s0 =	simm.s32 @!p0 $0x0  }
0x12: {  	s1 =	sld [smem:$0x3F9B];
	s0 =	simm.s32 @p0 $0x1  }
0x13: {  	[smem:$0x3FB6] =	sst s0;
	s0 =	simm.s32 @!p1 $0x0  }
0x14: {  	s2 =	sld [smem:$0x3F9A];
	s0 =	simm.s32 @p1 $0x1  }
0x15: {  	[smem:$0x3FB7] =	sst s0;
	s0 =	simm.s32 @!p2 $0x0  }
0x16: {  	s3 =	sld [smem:$0x3FDB];
	s0 =	simm.s32 @p2 $0x1  }
0x17: {  	s4 =	simm.s32 $0x1BF5;
	[smem:$0x3FB9] =	sst s0  }
0x18: {  	s0 =	sld [smem:$0x3F9C];
	_ =	swait.ge [sflag:s4], $0x0  }
0x19: {  	s7 =	sld [smem:$0x3F9D]  }
0x1a: {  	s8 =	sadd.s32 $0xFFFFE003, lr  }
0x1b: {  	s9 =	sadd.s32 $0xFFFFFEF7, lr;
	s5 =	simm.s32 $0xFFFFFFFF;
	p2 =	slt.u32 s8, $0xFFFFF086  }
0x1c: {  	p1 =	slt.u32 s9, $0xF7A;
	s5 =	simm.s32 @!p2 $0x0  }
0x1d: {  	s5 =	simm.s32 @p1 $0x1;
	p0 =	seq.s32 s7, s2  }
0x1e: {  	s7 =	smul.u32 @!p0 $0xF7A, s2;
	p2 =	seq.s32 @!p0 s5, $0x0  }
0x1f: {  	s9 =	smul.u32 $0xF7A, s1;
	s8 =	simm.s32 @!p0 $0x1BF5;
	p2 =	por !p2, p0  }
0x20: {  	[sflag:s8] =	ssyncset.s32 @!p0 $0xFFFFF086;
	s6 =	sadd.s32 @!p0 s3, s7;
	s7 =	simm.s32 @!p0 $0x108  }
0x21: {  	s3 =	sadd.s32 s3, s9;
	s6 =	sadd.s32 @!p0 $0x88, s6;
	s7 =	simm.s32 @p2 $0x1082  }
0x22: {  	[simem:s7], [sflag:s8] =	dma.local @!p0 [hbm:s6], $0xF7A  }
0x23: {  	s9 =	sor.u32 $0xD0000000, s2;
	s6 =	simm.s32 $0x108;
	_ =	swait.ge @!p0 [sflag:s8], $0x0  }
0x24: {  	s3 =	sadd.s32 $0x88, s3;
	s6 =	simm.s32 @!p1 $0x1082;
	[sflag:s4] =	ssyncset.s32 $0xFFFFF086  }
0x25: {  	[simem:s6], [sflag:s4] =	dma.local [hbm:s3], $0xF7A  }
0x26: {  	[smem:$0x3F9D] =	sst s1;
	(tag) =	ssettag s2;
	_ =	strace s9  }
0x27: {  	s1 =	sld [smem:$0x3FAD]  }
0x28: {  	s2 =	sld [smem:$0x3FAE]  }
0x29: {  	s4 =	sld [smem:$0x3FB0]  }
0x2a: {  	p0 =	seq.s32 s5, $0x0;
	s5 =	sld [smem:$0x3FB1]  }
0x2b: {  	s6 =	sld [smem:$0x3FB2]  }
0x2c: {  	s7 =	sld [smem:$0x3FB3]  }
0x2d: {  	s3 =	simm.s32 $0x108;
	s8 =	sld [smem:$0x3FB4]  }
0x2e: {  	s3 =	simm.s32 @!p0 $0x1082;
	s9 =	sld [smem:$0x3FB5]  }
0x2f: {  	lr =	sadd.s32 s0, s3;
	s0 =	sld [smem:$0x3FAC]  }
0x30: {  	s3 =	sld [smem:$0x3FAF]  }
0x31: {  	[smem:$0x3FB8] =	sst s10  }
0x32: {  	s10 =	sld [smem:$0x3FB6];
	_ =	sdelay $0x3  }
0x33: {  	p0 =	seq.s32 s10, $0x1;
	s10 =	sld [smem:$0x3FB8];
	_ =	sdelay $0x3  }
0x34: {  	[smem:$0x3FB8] =	sst s10  }
0x35: {  	s10 =	sld [smem:$0x3FB7];
	_ =	sdelay $0x3  }
0x36: {  	p1 =	seq.s32 s10, $0x1;
	s10 =	sld [smem:$0x3FB8];
	_ =	sdelay $0x3  }
0x37: {  	[smem:$0x3FB8] =	sst s10  }
0x38: {  	s10 =	sld [smem:$0x3FB9]  }
0x39: {  	_ = 	snop;
	(pc) =	sbr.ind lr, $3  }
0x3a: {  	_ = 	snop  }
0x3b: {  	_ = 	snop  }
0x3c: {  	p2 =	seq.s32 s10, $0x1;
	s10 =	sld [smem:$0x3FB8]  }
0x3d: {  	_ =	shalt  }
0x3e: {  	_ =	shalt  }
0x3f: {  	_ =	shalt  }
0x40: {  	_ =	shalt  }
0x41: {  	_ =	shalt  }
0x42: {  	_ =	shalt  }
0x43: {  	_ =	shalt  }
0x44: {  	_ =	shalt  }
0x45: {  	_ =	shalt  }
0x46: {  	_ =	shalt  }
0x47: {  	_ =	shalt  }
0x48: {  	_ =	shalt  }
0x49: {  	_ =	shalt  }
0x4a: {  	_ =	shalt  }
0x4b: {  	_ =	shalt  }
0x4c: {  	_ =	shalt  }
0x4d: {  	_ =	shalt  }
0x4e: {  	_ =	shalt  }
0x4f: {  	_ =	shalt  }
0x50: {  	_ =	shalt  }
0x51: {  	_ =	shalt  }
0x52: {  	_ =	shalt  }
0x53: {  	_ =	shalt  }
0x54: {  	_ =	shalt  }
0x55: {  	_ =	shalt  }
0x56: {  	_ =	shalt  }
0x57: {  	_ =	shalt  }
0x58: {  	_ =	shalt  }
0x59: {  	_ =	shalt  }
0x5a: {  	_ =	shalt  }
0x5b: {  	_ =	shalt  }
0x5c: {  	_ =	shalt  }
0x5d: {  	_ =	shalt  }
0x5e: {  	_ =	shalt  }
0x5f: {  	_ =	shalt  }
0x60: {  	_ =	shalt  }
0x61: {  	_ =	shalt  }
0x62: {  	_ =	shalt  }
0x63: {  	_ =	shalt  }
0x64: {  	_ =	shalt  }
0x65: {  	_ =	shalt  }
0x66: {  	_ =	shalt  }
0x67: {  	_ =	shalt  }
0x68: {  	_ =	shalt  }
0x69: {  	_ =	shalt  }
0x6a: {  	_ =	shalt  }
0x6b: {  	_ =	shalt  }
0x6c: {  	_ =	shalt  }
0x6d: {  	_ =	shalt  }
0x6e: {  	_ =	shalt  }
0x6f: {  	_ =	shalt  }
0x70: {  	_ =	shalt  }
0x71: {  	_ =	shalt  }
0x72: {  	_ =	shalt  }
0x73: {  	_ =	shalt  }
0x74: {  	_ =	shalt  }
0x75: {  	_ =	shalt  }
0x76: {  	_ =	shalt  }
0x77: {  	_ =	shalt  }
0x78: {  	_ =	shalt  }
0x79: {  	_ =	shalt  }
0x7a: {  	_ =	shalt  }
0x7b: {  	_ =	shalt  }
0x7c: {  	_ =	shalt  }
0x7d: {  	_ =	shalt  }
0x7e: {  	_ =	shalt  }
0x7f: {  	_ =	shalt  }
0x80: {  	_ =	shalt  }
0x81: {  	_ =	shalt  }
0x82: {  	_ =	shalt  }
0x83: {  	_ =	shalt  }
0x84: {  	_ =	shalt  }
0x85: {  	_ =	shalt  }
0x86: {  	_ =	shalt  }
0x87: {  	_ =	shalt  }
.Lfunc_end0:
.L_simem_size_0:
called_computation_lowered:
.L_overlay_start_0:
0x88: {  	s2 =	sld [smem:$0x3FD9]  }
0x89: {  	s3 =	sld [smem:$0x3FFE];
	_ =	sdelay $0x1  }
0x8a: {  	s1 =	srdreg.scid  }
0x8b: {  	s0 =	sand.u32 $0x1, s1  }
0x8c: {  	s17 =	sshll.u32 s0, $0xA;
	s2 =	sadd.s32 s3, s2  }
0x8d: {  	s2 =	sadd.s32 s2, s17  }
0x8e: {  	[smem:$0x3FC4] =	sst s2  }
0x8f: {  	_ = 	snop  }
0x90: {  	s2 =	sld [smem:$0x3FD0];
	(tm) =	ssettm $0x1  }
0x91: {  	s18 =	sld [smem:$0x3FFB];
	_ =	sdelay $0x3  }
0x92: {  	_ =	strace s18  }
0x93: {  	s3 =	sld [smem:$0x3FFC];
	_ =	sdelay $0x3  }
0x94: {  	_ =	strace s3  }
0x95: {  	s3 =	sld [smem:$0x3FFD];
	_ =	sdelay $0x3  }
0x96: {  	_ =	strace s3  }
0x97: {  	_ =	strace $0x8FFFFFFF  }
0x98: {  	s19 =	sld [smem:$0x3FDB];
	_ =	sdelay $0x1  }
0x99: {  	s4 =	simm.s32 $_scs_section_size  }
0x9a: {  	s5 =	simm.s32 $_size__tile_overlayer_lowered;
	s6 =	simm.s32 $_tile_overlayer_lowered  }
0x9b: {  	s22 =	simm.s32 $0x1BFF;
	s21 =	sshll.u32 s6, $0x1;
	s3 =	sadd.s32 s4, s19  }
0x9c: {  	s7 =	simm.s32 $0x0;
	s20 =	sshll.u32 s5, $0x1;
	s5 =	sadd.s32 s21, s3  }
0x9d: {  	[timem:s7], [sflag:s22] =	dma.local [hbm:s5], s20  }
0x9e: {  	_ =	swait.ge [sflag:s22], s20  }
0x9f: {  	s4 =	ssub.s32 $0x0, s20;
	[sflag:s22] =	ssyncset.done $0x0  }
0xa0: {  	[sflag:s22] =	ssyncadd.s32 s4;
	_ =	sdelay $0x1  }
0xa1: {  	s23 =	simm.s32 $0x1B8B  }
0xa2: {  	_ =	swait.ge [sflag:s23], $0x1  }
0xa3: {  	[sflag:s23] =	ssyncset.done $0x0  }
0xa4: {  	s25 =	simm.s32 $0x1B8E;
	s24 =	sld [smem:$0x3FFE];
	[sflag:s23] =	ssyncadd.s32 $0xFFFFFFFF  }
0xa5: {  	s26 =	simm.s32 $execute0_lowered;
	[smem:$0x3FD2] =	sst s25  }
0xa6: {  	s5 =	sshll.u32 s26, $0x1;
	_ =	strace $0x80000046;
	[dreg:$0x1] =	wrdreg $0xFFFFFFFF  }
0xa7: {  	s28 =	simm.s32 $_size_execute0_lowered;
	s3 =	sadd.s32 s3, s5;
	[dreg:$0x0] =	wrdreg $0x0  }
0xa8: {  	s5 =	sshll.u32 s28, $0x1;
	[dreg:$0x2] =	wrdreg s3  }
0xa9: {  	[dreg:$0x3] =	wrdreg s5  }
0xaa: {  	[dreg:$0x4] =	wrdreg $0xC0  }
0xab: {  	_ =	task [dreg:s7], $0x5FFFF  }
0xac: {  	[dreg:$0x1] =	wrdreg $0xFFFFFFFF  }
0xad: {  	[dreg:$0x0] =	wrdreg $0x60  }
0xae: {  	[dreg:$0x2] =	wrdreg s2  }
0xaf: {  	[dreg:$0x3] =	wrdreg s24  }
0xb0: {  	[dreg:$0x4] =	wrdreg $0x9  }
0xb1: {  	_ =	task.clear_ibuf [dreg:s7], $0x5FFFF;
	_ =	strace $0x90000046  }
0xb2: {  	s29 =	simm.s32 $0x9;
	_ =	strace $0x80000048  }
0xb3: {  	_ =	swait.ge [sflag:s29], $0x1  }
0xb4: {  	[sflag:s29] =	ssyncadd.s32 $0xFFFFFFFF  }
0xb5: {  	_ =	strace $0x90000048  }
0xb6: {  	_ =	sfence  }
0xb7: {  	s30 =	sld [smem:$0x0];
	_ =	sdelay $0x2  }
0xb8: {  	s31 =	sshll.u32 s1, $0xD;
	s1 =	sshrl.u32 s1, $0x2  }
0xb9: {  	s3 =	sand.u32 $0x4000, s31;
	s1 =	sadd.s32 s1, s30  }
0xba: {  	s0 =	sor.u32 s3, s0;
	s1 =	sshll.u32 s1, $0x11  }
0xbb: {  	s0 =	sor.u32 s1, s0  }
0xbc: {  	s0 =	sadd.s32 $0x8F2B, s0  }
0xbd: {  	[sflag:s0] =	ssyncadd.remote.s32 $0x1  }
0xbe: {  	_ =	sfence.sel $0xFFFF  }
0xbf: {  	[dreg:$0x0] =	wrdreg $0xFFFFFFFF;
	(pc) =	sbr.abs _section_cstart, $3  }
0xc0: {  	[dreg:$0x1] =	wrdreg $0xFFFFFFFF  }
0xc1: {  	_ =	task.clear_ibuf [dreg:s7], $0x2FFFF;
	_ =	strace $0x9FFFFFFF  }
0xc2: {  	(tm) =	ssettm $0x7FFFFFFF  }
0xc3: {  	_ =	shalt  }
tec
execute0_lowered:
.L_overlay_start_1:
0x0: {  	(tag) =	ssettag $0x1  }
0x1: {  	s3 =	rddreg [dreg:$0x0]  }
0x2: {  	s4 =	rddreg [dreg:$0x1]  }
0x3: {  	s1 =	srdreg.scid;
	s0 =	rddreg [dreg:$0x2]  }
0x4: {  	s2 =	simm.s32 $0x0;
	s5 =	sand.u32 $0x1, s1;
	s1 =	stileid.u32  }
0x5: {  	[smem:$0x7FF] =	sst s2;
	s7 =	smul.u32 $0x50000, s5  }
0x6: {  	s6 =	ssub.s32 $0x2, s5;
	s9 =	smul.u32 $0x5000, s1;
	_ =	strace $0x80000047  }
0x7: {  	s28 =	sshrl.u32 s1, $0x3;
	s29 =	sshll.u32 s1, $0x7;
	s8 =	sshrl.u32 s6, $0x1  }
0x8: {  	p0 =	seq.s32 s5, $0x1;
	s6 =	ssub.s32 s6, s8;
	s8 =	smul.u32 $0x14000, s28  }
0x9: {  	s30 =	sand.u32 $0x380, s29;
	s7 =	sadd.s32 s9, s7;
	s9 =	simm.s32 $0x7800  }
0xa: {  	s7 =	sshrl.u32 s7, $0x3;
	s9 =	simm.s32 @!p0 $0x2800;
	s5 =	sor.u32 s30, s8  }
0xb: {  	s3 =	sadd.s32 s3, s7;
	s31 =	sadd.s32 s9, s4;
	s4 =	smax.u32 s6, $0x1  }
0xc: {  	s6 =	simm.s32 $0x1;
	s7 =	simm.s32 $0x5000;
	s5 =	sshrl.u32 s5, $0x3  }
0xd: {  	v0 =	vimm.f32 $0.0e+00;
	v1 =	vimm.f32 $1.000000000e+00;
	s8 =	simm.s32 $0x80;
	s9 =	simm.s32 $0x400;
	s5 =	sadd.s32 s31, s5  }
.LBB2_1:
0xe: {  	s10 =	simm.s32 $0x40;
	s11 =	simm.s32 $0x0  }
.LBB2_2:
0xf: {  	p0 =	sne.s32 s10, $0x9FC0;
	[tilespmem:s11+$0x5000] =	vst v0;
	s11 =	smov.u32 s10;
	s10 =	sadd.s32 $0x40, s10  }
.Ltmp0:
0x10: {  	(pc) =	sbr.rel @p0 .LBB2_2-.Ltmp0, $2  }
0x11: {  	_ =	sdelay $0x2  }
0x12: {  	s11 =	sshra.s32 s11, $0x2  }
0x13: {  	[tilespmem:s11+$0x5000] =	vst v0;
	s10 =	simm.s32 $0x0  }
0x14: {  	[tilespmem:s10], [sflag:$0x1] =	stream.linear.gather [hbm4b:s3+s10], $0x5000, $0x38;
	[tilespmem:$0x7800] =	vst v63  }
0x15: {  	_ =	swait.ge [sflag:s6], $0x5000  }
0x16: {  	[sflag:s6] =	ssyncset.done $0x0  }
0x17: {  	[sflag:s6] =	ssyncadd.s32 $0xFFFFB000  }
.LBB2_4:
0x18: {  	s11 =	sshra.s32 s10, $0x2  }
0x19: {  	v2 =	vld [tilespmem:s11+$0x0];
	_ =	sdelay $0x7  }
0x1a: {  	[tilespmem:v2+s7+$0x0] =	vst.idx.add.f32.msk $0xffff, v1  }
0x1b: {  	v2 =	vld [tilespmem:s11+$0x10];
	_ =	sdelay $0x7  }
0x1c: {  	[tilespmem:v2+s7+$0x0] =	vst.idx.add.f32.msk $0xffff, v1  }
0x1d: {  	v2 =	vld [tilespmem:s11+$0x20];
	_ =	sdelay $0x7  }
0x1e: {  	[tilespmem:v2+s7+$0x0] =	vst.idx.add.f32.msk $0xffff, v1  }
0x1f: {  	v2 =	vld [tilespmem:s11+$0x30];
	_ =	sdelay $0x7  }
0x20: {  	[tilespmem:v2+s7+$0x0] =	vst.idx.add.f32.msk $0xffff, v1  }
0x21: {  	v2 =	vld [tilespmem:s11+$0x40];
	_ =	sdelay $0x7  }
0x22: {  	[tilespmem:v2+s7+$0x0] =	vst.idx.add.f32.msk $0xffff, v1  }
0x23: {  	v2 =	vld [tilespmem:s11+$0x50];
	_ =	sdelay $0x7  }
0x24: {  	[tilespmem:v2+s7+$0x0] =	vst.idx.add.f32.msk $0xffff, v1  }
0x25: {  	v2 =	vld [tilespmem:s11+$0x60];
	_ =	sdelay $0x7  }
0x26: {  	[tilespmem:v2+s7+$0x0] =	vst.idx.add.f32.msk $0xffff, v1  }
0x27: {  	v2 =	vld [tilespmem:s11+$0x70];
	_ =	sdelay $0x2  }
0x28: {  	p0 =	sne.s32 s10, $0x13E00  }
.Ltmp1:
0x29: {  	_ = 	snop;
	(pc) =	sbr.rel @p0 .LBB2_4-.Ltmp1, $2  }
0x2a: {  	_ =	sdelay $0x2  }
0x2b: {  	s10 =	sadd.s32 $0x200, s10;
	[tilespmem:v2+s7+$0x0] =	vst.idx.add.f32.msk $0xffff, v1  }
0x2c: {  	s2 =	sadd.s32 $0x1, s2  }
0x2d: {  	p0 =	sne.s32 s2, s4  }
.Ltmp2:
0x2e: {  	_ = 	snop;
	(pc) =	sbr.rel @p0 .LBB2_1-.Ltmp2, $4  }
0x2f: {  	[hbm4b:s5+s8] =	stream.strided.scatter [tilespmem:s7], [sflag:$0x1], $0x2800, s9, s8, $0x38;
	[tilespmem:$0x7800] =	vst v63  }
0x30: {  	_ =	swait.ge [sflag:s6], $0x2800  }
0x31: {  	[sflag:s6] =	ssyncset.done $0x0  }
0x32: {  	[sflag:s6] =	ssyncadd.s32 $0xFFFFD800  }
0x33: {  	_ =	sfence.sel $0x180000  }
0x34: {  	[bflag:$0x0] =	sbarrier.arrive $0xFFFF  }
0x35: {  	p0 =	sne.s32 s1, $0x0;
	_ =	strace $0x90000047  }
0x36: {  	s0 =	sadd.s32 @!p0 $0x100000, s0;
	[bflag:$0x2] =	sbarrier.arrive $0xFFFF  }
0x37: {  	[sflag:s0] =	ssyncadd.tile.s32 @!p0 $0x1;
	_ =	shalt  }
.Lfunc_end2:
_tile_overlayer_lowered:
.L_overlay_start_2:
0x38: {  	(tag) =	ssettag $0x2  }
0x39: {  	s0 =	rddreg [dreg:$0x0];
	s2 =	stileid.u32  }
0x3a: {  	s1 =	rddreg [dreg:$0x1];
	p0 =	sne.s32 s2, $0x0  }
0x3b: {  	s3 =	rddreg [dreg:$0x2];
	[bflag:$0x3] =	sbarrier.arrive $0xFFFF;
	s2 =	simm.s32 @!p0 $0x1C01  }
0x3c: {  	[timem:s3], [sflag:s2] =	dma.local @!p0 [hbm:s0], s1  }
0x3d: {  	s0 =	simm.s32 @!p0 $0x1  }
0x3e: {  	_ =	swait.ge @!p0 [sflag:s0], s1  }
0x3f: {  	s1 =	ssub.s32 @!p0 $0x0, s1;
	[sflag:s0] =	ssyncset.done @!p0 $0x0  }
0x40: {  	[sflag:s0] =	ssyncadd.s32 @!p0 s1  }
0x41: {  	[bflag:$0x3] =	sbarrier.arrive $0xFFFF  }
0x42: {  	_ =	shalt  }

// kernel: kernel.9.cloned.1.call-start
scs
__scs_entry_jumppad:
0x0: {  	(pc) =	sbr.rel $0x88, $3  }
0x1: {  	(tag) =	ssettag $0x0;
	lr =	simm.s32 $0x1  }
0x2: {  	[smem:$0x3F9D] =	sst lr;
	_ =	strace $0xD0000000  }
0x3: {  	_ = 	snop  }
0x4: {  	_ = 	snop  }
0x5: {  	_ = 	snop  }
0x6: {  	_ = 	snop  }
0x7: {  	_ = 	snop  }
__scs_overlays_trampoline_lowered:
0x8: {  	[smem:$0x3FAC] =	sst s0  }
0x9: {  	[smem:$0x3FAD] =	sst s1  }
0xa: {  	[smem:$0x3FAE] =	sst s2  }
0xb: {  	[smem:$0x3FAF] =	sst s3  }
0xc: {  	[smem:$0x3FB0] =	sst s4  }
0xd: {  	[smem:$0x3FB1] =	sst s5  }
0xe: {  	[smem:$0x3FB2] =	sst s6  }
0xf: {  	[smem:$0x3FB3] =	sst s7  }
0x10: {  	[smem:$0x3FB4] =	sst s8  }
0x11: {  	[smem:$0x3FB5] =	sst s9;
	s0 =	simm.s32 @!p0 $0x0  }
0x12: {  	s1 =	sld [smem:$0x3F9B];
	s0 =	simm.s32 @p0 $0x1  }
0x13: {  	[smem:$0x3FB6] =	sst s0;
	s0 =	simm.s32 @!p1 $0x0  }
0x14: {  	s2 =	sld [smem:$0x3F9A];
	s0 =	simm.s32 @p1 $0x1  }
0x15: {  	[smem:$0x3FB7] =	sst s0;
	s0 =	simm.s32 @!p2 $0x0  }
0x16: {  	s3 =	sld [smem:$0x3FDB];
	s0 =	simm.s32 @p2 $0x1  }
0x17: {  	s4 =	simm.s32 $0x1BF5;
	[smem:$0x3FB9] =	sst s0  }
0x18: {  	s0 =	sld [smem:$0x3F9C];
	_ =	swait.ge [sflag:s4], $0x0  }
0x19: {  	s7 =	sld [smem:$0x3F9D]  }
0x1a: {  	s8 =	sadd.s32 $0xFFFFE003, lr  }
0x1b: {  	s9 =	sadd.s32 $0xFFFFFEF7, lr;
	s5 =	simm.s32 $0xFFFFFFFF;
	p2 =	slt.u32 s8, $0xFFFFF086  }
0x1c: {  	p1 =	slt.u32 s9, $0xF7A;
	s5 =	simm.s32 @!p2 $0x0  }
0x1d: {  	s5 =	simm.s32 @p1 $0x1;
	p0 =	seq.s32 s7, s2  }
0x1e: {  	s7 =	smul.u32 @!p0 $0xF7A, s2;
	p2 =	seq.s32 @!p0 s5, $0x0  }
0x1f: {  	s9 =	smul.u32 $0xF7A, s1;
	s8 =	simm.s32 @!p0 $0x1BF5;
	p2 =	por !p2, p0  }
0x20: {  	[sflag:s8] =	ssyncset.s32 @!p0 $0xFFFFF086;
	s6 =	sadd.s32 @!p0 s3, s7;
	s7 =	simm.s32 @!p0 $0x108  }
0x21: {  	s3 =	sadd.s32 s3, s9;
	s6 =	sadd.s32 @!p0 $0x88, s6;
	s7 =	simm.s32 @p2 $0x1082  }
0x22: {  	[simem:s7], [sflag:s8] =	dma.local @!p0 [hbm:s6], $0xF7A  }
0x23: {  	s9 =	sor.u32 $0xD0000000, s2;
	s6 =	simm.s32 $0x108;
	_ =	swait.ge @!p0 [sflag:s8], $0x0  }
0x24: {  	s3 =	sadd.s32 $0x88, s3;
	s6 =	simm.s32 @!p1 $0x1082;
	[sflag:s4] =	ssyncset.s32 $0xFFFFF086  }
0x25: {  	[simem:s6], [sflag:s4] =	dma.local [hbm:s3], $0xF7A  }
0x26: {  	[smem:$0x3F9D] =	sst s1;
	(tag) =	ssettag s2;
	_ =	strace s9  }
0x27: {  	s1 =	sld [smem:$0x3FAD]  }
0x28: {  	s2 =	sld [smem:$0x3FAE]  }
0x29: {  	s4 =	sld [smem:$0x3FB0]  }
0x2a: {  	p0 =	seq.s32 s5, $0x0;
	s5 =	sld [smem:$0x3FB1]  }
0x2b: {  	s6 =	sld [smem:$0x3FB2]  }
0x2c: {  	s7 =	sld [smem:$0x3FB3]  }
0x2d: {  	s3 =	simm.s32 $0x108;
	s8 =	sld [smem:$0x3FB4]  }
0x2e: {  	s3 =	simm.s32 @!p0 $0x1082;
	s9 =	sld [smem:$0x3FB5]  }
0x2f: {  	lr =	sadd.s32 s0, s3;
	s0 =	sld [smem:$0x3FAC]  }
0x30: {  	s3 =	sld [smem:$0x3FAF]  }
0x31: {  	[smem:$0x3FB8] =	sst s10  }
0x32: {  	s10 =	sld [smem:$0x3FB6];
	_ =	sdelay $0x3  }
0x33: {  	p0 =	seq.s32 s10, $0x1;
	s10 =	sld [smem:$0x3FB8];
	_ =	sdelay $0x3  }
0x34: {  	[smem:$0x3FB8] =	sst s10  }
0x35: {  	s10 =	sld [smem:$0x3FB7];
	_ =	sdelay $0x3  }
0x36: {  	p1 =	seq.s32 s10, $0x1;
	s10 =	sld [smem:$0x3FB8];
	_ =	sdelay $0x3  }
0x37: {  	[smem:$0x3FB8] =	sst s10  }
0x38: {  	s10 =	sld [smem:$0x3FB9]  }
0x39: {  	_ = 	snop;
	(pc) =	sbr.ind lr, $3  }
0x3a: {  	_ = 	snop  }
0x3b: {  	_ = 	snop  }
0x3c: {  	p2 =	seq.s32 s10, $0x1;
	s10 =	sld [smem:$0x3FB8]  }
0x3d: {  	_ =	shalt  }
0x3e: {  	_ =	shalt  }
0x3f: {  	_ =	shalt  }
0x40: {  	_ =	shalt  }
0x41: {  	_ =	shalt  }
0x42: {  	_ =	shalt  }
0x43: {  	_ =	shalt  }
0x44: {  	_ =	shalt  }
0x45: {  	_ =	shalt  }
0x46: {  	_ =	shalt  }
0x47: {  	_ =	shalt  }
0x48: {  	_ =	shalt  }
0x49: {  	_ =	shalt  }
0x4a: {  	_ =	shalt  }
0x4b: {  	_ =	shalt  }
0x4c: {  	_ =	shalt  }
0x4d: {  	_ =	shalt  }
0x4e: {  	_ =	shalt  }
0x4f: {  	_ =	shalt  }
0x50: {  	_ =	shalt  }
0x51: {  	_ =	shalt  }
0x52: {  	_ =	shalt  }
0x53: {  	_ =	shalt  }
0x54: {  	_ =	shalt  }
0x55: {  	_ =	shalt  }
0x56: {  	_ =	shalt  }
0x57: {  	_ =	shalt  }
0x58: {  	_ =	shalt  }
0x59: {  	_ =	shalt  }
0x5a: {  	_ =	shalt  }
0x5b: {  	_ =	shalt  }
0x5c: {  	_ =	shalt  }
0x5d: {  	_ =	shalt  }
0x5e: {  	_ =	shalt  }
0x5f: {  	_ =	shalt  }
0x60: {  	_ =	shalt  }
0x61: {  	_ =	shalt  }
0x62: {  	_ =	shalt  }
0x63: {  	_ =	shalt  }
0x64: {  	_ =	shalt  }
0x65: {  	_ =	shalt  }
0x66: {  	_ =	shalt  }
0x67: {  	_ =	shalt  }
0x68: {  	_ =	shalt  }
0x69: {  	_ =	shalt  }
0x6a: {  	_ =	shalt  }
0x6b: {  	_ =	shalt  }
0x6c: {  	_ =	shalt  }
0x6d: {  	_ =	shalt  }
0x6e: {  	_ =	shalt  }
0x6f: {  	_ =	shalt  }
0x70: {  	_ =	shalt  }
0x71: {  	_ =	shalt  }
0x72: {  	_ =	shalt  }
0x73: {  	_ =	shalt  }
0x74: {  	_ =	shalt  }
0x75: {  	_ =	shalt  }
0x76: {  	_ =	shalt  }
0x77: {  	_ =	shalt  }
0x78: {  	_ =	shalt  }
0x79: {  	_ =	shalt  }
0x7a: {  	_ =	shalt  }
0x7b: {  	_ =	shalt  }
0x7c: {  	_ =	shalt  }
0x7d: {  	_ =	shalt  }
0x7e: {  	_ =	shalt  }
0x7f: {  	_ =	shalt  }
0x80: {  	_ =	shalt  }
0x81: {  	_ =	shalt  }
0x82: {  	_ =	shalt  }
0x83: {  	_ =	shalt  }
0x84: {  	_ =	shalt  }
0x85: {  	_ =	shalt  }
0x86: {  	_ =	shalt  }
0x87: {  	_ =	shalt  }
.Lfunc_end0:
.L_simem_size_0:
called_computation.1_lowered:
.L_overlay_start_0:
0x88: {  	s2 =	sld [smem:$0x3FD9]  }
0x89: {  	s3 =	sld [smem:$0x3FFE];
	_ =	sdelay $0x1  }
0x8a: {  	s1 =	srdreg.scid  }
0x8b: {  	s0 =	sand.u32 $0x1, s1  }
0x8c: {  	s17 =	sshll.u32 s0, $0xA;
	s2 =	sadd.s32 s3, s2  }
0x8d: {  	s2 =	sadd.s32 s2, s17  }
0x8e: {  	[smem:$0x3FC4] =	sst s2  }
0x8f: {  	_ = 	snop  }
0x90: {  	s2 =	sld [smem:$0x3FD0];
	(tm) =	ssettm $0x1  }
0x91: {  	s18 =	sld [smem:$0x3FFB];
	_ =	sdelay $0x3  }
0x92: {  	_ =	strace s18  }
0x93: {  	s3 =	sld [smem:$0x3FFC];
	_ =	sdelay $0x3  }
0x94: {  	_ =	strace s3  }
0x95: {  	s3 =	sld [smem:$0x3FFD];
	_ =	sdelay $0x3  }
0x96: {  	_ =	strace s3  }
0x97: {  	_ =	strace $0x8FFFFFFF  }
0x98: {  	s19 =	sld [smem:$0x3FDB];
	_ =	sdelay $0x1  }
0x99: {  	s4 =	simm.s32 $_scs_section_size  }
0x9a: {  	s5 =	simm.s32 $_size__tile_overlayer_lowered;
	s6 =	simm.s32 $_tile_overlayer_lowered  }
0x9b: {  	s22 =	simm.s32 $0x1BFF;
	s21 =	sshll.u32 s6, $0x1;
	s3 =	sadd.s32 s4, s19  }
0x9c: {  	s7 =	simm.s32 $0x0;
	s20 =	sshll.u32 s5, $0x1;
	s5 =	sadd.s32 s21, s3  }
0x9d: {  	[timem:s7], [sflag:s22] =	dma.local [hbm:s5], s20  }
0x9e: {  	_ =	swait.ge [sflag:s22], s20  }
0x9f: {  	s4 =	ssub.s32 $0x0, s20;
	[sflag:s22] =	ssyncset.done $0x0  }
0xa0: {  	[sflag:s22] =	ssyncadd.s32 s4;
	_ =	sdelay $0x1  }
0xa1: {  	s23 =	simm.s32 $0x1B8B  }
0xa2: {  	_ =	swait.ge [sflag:s23], $0x1  }
0xa3: {  	[sflag:s23] =	ssyncset.done $0x0  }
0xa4: {  	s25 =	simm.s32 $0x1B8E;
	s24 =	sld [smem:$0x3FFE];
	[sflag:s23] =	ssyncadd.s32 $0xFFFFFFFF  }
0xa5: {  	s26 =	simm.s32 $execute0_lowered;
	[smem:$0x3FD2] =	sst s25  }
0xa6: {  	s5 =	sshll.u32 s26, $0x1;
	_ =	strace $0x80000049;
	[dreg:$0x1] =	wrdreg $0xFFFFFFFF  }
0xa7: {  	s28 =	simm.s32 $_size_execute0_lowered;
	s3 =	sadd.s32 s3, s5;
	[dreg:$0x0] =	wrdreg $0x0  }
0xa8: {  	s5 =	sshll.u32 s28, $0x1;
	[dreg:$0x2] =	wrdreg s3  }
0xa9: {  	[dreg:$0x3] =	wrdreg s5  }
0xaa: {  	[dreg:$0x4] =	wrdreg $0xC0  }
0xab: {  	_ =	task [dreg:s7], $0x5FFFF  }
0xac: {  	[dreg:$0x1] =	wrdreg $0xFFFFFFFF  }
0xad: {  	[dreg:$0x0] =	wrdreg $0x60  }
0xae: {  	[dreg:$0x2] =	wrdreg s2  }
0xaf: {  	[dreg:$0x3] =	wrdreg s24  }
0xb0: {  	[dreg:$0x4] =	wrdreg $0xA8000  }
0xb1: {  	[dreg:$0x5] =	wrdreg $0x9  }
0xb2: {  	_ =	task.clear_ibuf [dreg:s7], $0x6FFFF;
	_ =	strace $0x90000049  }
0xb3: {  	s29 =	simm.s32 $0x9;
	_ =	strace $0x8000004B  }
0xb4: {  	_ =	swait.ge [sflag:s29], $0x1  }
0xb5: {  	[sflag:s29] =	ssyncadd.s32 $0xFFFFFFFF  }
0xb6: {  	_ =	strace $0x9000004B  }
0xb7: {  	_ =	sfence  }
0xb8: {  	s30 =	sld [smem:$0x0];
	_ =	sdelay $0x2  }
0xb9: {  	s31 =	sshll.u32 s1, $0xD;
	s1 =	sshrl.u32 s1, $0x2  }
0xba: {  	s3 =	sand.u32 $0x4000, s31;
	s1 =	sadd.s32 s1, s30  }
0xbb: {  	s0 =	sor.u32 s3, s0;
	s1 =	sshll.u32 s1, $0x11  }
0xbc: {  	s0 =	sor.u32 s1, s0  }
0xbd: {  	s0 =	sadd.s32 $0x8F2B, s0  }
0xbe: {  	[sflag:s0] =	ssyncadd.remote.s32 $0x1  }
0xbf: {  	_ =	sfence.sel $0xFFFF  }
0xc0: {  	[dreg:$0x0] =	wrdreg $0xFFFFFFFF;
	(pc) =	sbr.abs _section_cstart, $3  }
0xc1: {  	[dreg:$0x1] =	wrdreg $0xFFFFFFFF  }
0xc2: {  	_ =	task.clear_ibuf [dreg:s7], $0x2FFFF;
	_ =	strace $0x9FFFFFFF  }
0xc3: {  	(tm) =	ssettm $0x7FFFFFFF  }
tec
execute0_lowered:
.L_overlay_start_1:
0x0: {  	(tag) =	ssettag $0x1  }
0x1: {  	s5 =	rddreg [dreg:$0x0]  }
0x2: {  	s6 =	rddreg [dreg:$0x1]  }
0x3: {  	s2 =	rddreg [dreg:$0x2];
	s3 =	srdreg.scid  }
0x4: {  	s0 =	rddreg [dreg:$0x3];
	s1 =	stileid.u32;
	s15 =	simm.s32 $0x7A800  }
0x5: {  	s16 =	simm.s32 $0x80;
	s17 =	simm.s32 $0x2800;
	s18 =	simm.s32 $0x6800  }
0x6: {  	s19 =	simm.s32 $0x1;
	s20 =	simm.s32 $0x1380;
	s21 =	simm.s32 $0x2700  }
0x7: {  	s22 =	simm.s32 $0x2780;
	s23 =	simm.s32 $0x0;
	s7 =	smul.u32 $0x2800, s1  }
0x8: {  	s10 =	sand.u32 $0x1, s3;
	s3 =	simm.s32 $0x0;
	s8 =	smul.u32 $0x50000, s1  }
0x9: {  	s31 =	sshll.u32 s1, $0x6;
	s4 =	sshll.u32 s10, $0x4;
	[smem:$0x7FF] =	sst s3  }
0xa: {  	s9 =	ssub.s32 $0x2, s10;
	p0 =	seq.s32 s10, $0x1;
	s4 =	sor.u32 s1, s4  }
0xb: {  	_ =	strace $0x8000004A;
	s12 =	sadd.s32 s7, s6;
	s28 =	sshrl.u32 s9, $0x1  }
0xc: {  	s29 =	sshrl.u32 s8, $0x2;
	s7 =	sor.u32 $0x1C02, s31;
	s15 =	simm.s32 @!p0 $0x52800  }
0xd: {  	s11 =	smul.u32 $0x2800, s4;
	s4 =	sadd.s32 $0x2800, s6;
	s13 =	ssub.s32 s9, s28  }
0xe: {  	s14 =	sadd.s32 s29, s2;
	s6 =	sadd.s32 $0x2A800, s12;
	s12 =	sadd.s32 s15, s12  }
0xf: {  	s15 =	simm.s32 $0x1400;
	s30 =	sshrl.u32 s11, $0x3;
	s11 =	smax.u32 s13, $0x1  }
0x10: {  	s13 =	sshrl.u32 s14, $0x3;
	s14 =	simm.s32 $0x2;
	s5 =	sadd.s32 s5, s30  }
0x11: {  	s8 =	sadd.s32 $0xA000, s5;
	s9 =	sadd.s32 $0x280, s5;
	s10 =	sadd.s32 $0xA280, s5  }
.LBB2_1:
0x12: {  	[spmem:s13], [sflag:s7] =	dma.local [hbm:s6], $0x2800  }
0x13: {  	_ =	swait.ge [sflag:s14], $0x2800  }
0x14: {  	[sflag:s14] =	ssyncset.done $0x0  }
0x15: {  	[sflag:s14] =	ssyncadd.s32 $0xFFFFD800  }
0x16: {  	[bflag:$0x0] =	sbarrier.arrive $0xFFFF  }
0x17: {  	[tilespmem:s3], [sflag:$0x2] =	stream.linear.gather [hbm4b:s5+s3], $0x1400, $0x38;
	[tilespmem:$0x1E800] =	vst v63  }
0x18: {  	_ =	swait.ge [sflag:s14], $0x1400  }
0x19: {  	[sflag:s14] =	ssyncset.done $0x0  }
0x1a: {  	[sflag:s14] =	ssyncadd.s32 $0xFFFFEC00  }
0x1b: {  	[tilespmem:s15], [sflag:$0x2] =	stream.linear.gather [hbm4b:s8+s3], $0x1400, $0x38;
	[tilespmem:$0x1E800] =	vst v63  }
0x1c: {  	_ =	swait.ge [sflag:s14], $0x1400  }
0x1d: {  	[sflag:s14] =	ssyncset.done $0x0  }
0x1e: {  	[sflag:s14] =	ssyncadd.s32 $0xFFFFEC00  }
0x1f: {  	[tilespmem:s17], [sflag:$0x1] =	stream.indirect.gather [hbm4b:s4+s16], $0x80, s3, s16, $0xb8;
	[tilespmem:$0x1E800] =	vst v63  }
0x20: {  	s24 =	simm.s32 $0x80  }
0x21: {  	[tilespmem:s18], [sflag:$0x1] =	stream.indirect.gather [hbm4b:s4+s16], $0x80, s24, s16, $0xb8;
	[tilespmem:$0x1E800] =	vst v63  }
0x22: {  	_ =	swait.ge [sflag:s19], $0x4000  }
0x23: {  	[sflag:s19] =	ssyncset.done $0x0  }
0x24: {  	s29 =	simm.s32 $0x1400;
	[sflag:s19] =	ssyncadd.s32 $0xFFFFC000  }
0x25: {  	[spmem:s2] =	stream.indirect.scatter.add.f32 [tilespmem:s17], [sflag:$0x2], $0x80, s29, s16, $0xb8;
	[tilespmem:$0x1E800] =	vst v63  }
0x26: {  	_ =	swait.ge [sflag:s14], $0x4000  }
0x27: {  	[sflag:s14] =	ssyncset.done $0x0  }
0x28: {  	s30 =	simm.s32 $0x100;
	[sflag:s14] =	ssyncadd.s32 $0xFFFFC000  }
0x29: {  	[tilespmem:s17], [sflag:$0x1] =	stream.indirect.gather [hbm4b:s4+s16], $0x80, s30, s16, $0xb8;
	[tilespmem:$0x1E800] =	vst v63  }
0x2a: {  	_ =	swait.ge [sflag:s19], $0x4000  }
0x2b: {  	[sflag:s19] =	ssyncset.done $0x0  }
0x2c: {  	s31 =	simm.s32 $0x1480;
	[sflag:s19] =	ssyncadd.s32 $0xFFFFC000  }
0x2d: {  	[spmem:s2] =	stream.indirect.scatter.add.f32 [tilespmem:s18], [sflag:$0x2], $0x80, s31, s16, $0xb8;
	[tilespmem:$0x1E800] =	vst v63  }
0x2e: {  	_ =	swait.ge [sflag:s14], $0x4000  }
0x2f: {  	s25 =	simm.s32 $0x800;
	s24 =	simm.s32 $0x100;
	[sflag:s14] =	ssyncset.done $0x0  }
.LBB2_2:
0x30: {  	s26 =	sadd.s32 $0x80, s24  }
0x31: {  	[sflag:s14] =	ssyncadd.s32 $0xFFFFC000;
	s28 =	smov.u32 s25;
	s29 =	sadd.s32 $0x400, s25  }
0x32: {  	[tilespmem:s18], [sflag:$0x1] =	stream.indirect.gather [hbm4b:s4+s16], $0x80, s26, s16, $0xb8;
	[tilespmem:$0x1E800] =	vst v63  }
0x33: {  	p0 =	sne.s32 s25, $0x4800;
	_ =	swait.ge [sflag:s19], $0x4000  }
0x34: {  	[sflag:s19] =	ssyncset.done $0x0  }
0x35: {  	s25 =	sadd.s32 $0x1400, s24;
	[sflag:s19] =	ssyncadd.s32 $0xFFFFC000  }
0x36: {  	[spmem:s2] =	stream.indirect.scatter.add.f32 [tilespmem:s17], [sflag:$0x2], $0x80, s25, s16, $0xb8;
	[tilespmem:$0x1E800] =	vst v63  }
0x37: {  	_ =	swait.ge [sflag:s14], $0x4000  }
0x38: {  	[sflag:s14] =	ssyncset.done $0x0  }
0x39: {  	s25 =	sadd.s32 $0x100, s24;
	[sflag:s14] =	ssyncadd.s32 $0xFFFFC000  }
0x3a: {  	[tilespmem:s17], [sflag:$0x1] =	stream.indirect.gather [hbm4b:s4+s16], $0x80, s25, s16, $0xb8;
	[tilespmem:$0x1E800] =	vst v63  }
0x3b: {  	_ =	swait.ge [sflag:s19], $0x4000  }
.Ltmp0:
0x3c: {  	[sflag:s19] =	ssyncset.done $0x0;
	(pc) =	sbr.rel @p0 .LBB2_2-.Ltmp0, $4  }
0x3d: {  	s24 =	sadd.s32 $0x1480, s24;
	[sflag:s19] =	ssyncadd.s32 $0xFFFFC000  }
0x3e: {  	[spmem:s2] =	stream.indirect.scatter.add.f32 [tilespmem:s18], [sflag:$0x2], $0x80, s24, s16, $0xb8;
	[tilespmem:$0x1E800] =	vst v63  }
0x3f: {  	_ =	swait.ge [sflag:s14], $0x4000  }
0x40: {  	s25 =	smov.u32 s29;
	s24 =	sshra.s32 s28, $0x2;
	[sflag:s14] =	ssyncset.done $0x0  }
0x41: {  	s25 =	sadd.s32 $0x80, s24;
	[sflag:s14] =	ssyncadd.s32 $0xFFFFC000  }
0x42: {  	[tilespmem:s18], [sflag:$0x1] =	stream.indirect.gather [hbm4b:s4+s16], $0x80, s25, s16, $0xb8;
	[tilespmem:$0x1E800] =	vst v63  }
0x43: {  	_ =	swait.ge [sflag:s19], $0x4000  }
0x44: {  	[sflag:s19] =	ssyncset.done $0x0  }
0x45: {  	s30 =	sadd.s32 $0x1400, s24;
	[sflag:s19] =	ssyncadd.s32 $0xFFFFC000  }
0x46: {  	[spmem:s2] =	stream.indirect.scatter.add.f32 [tilespmem:s17], [sflag:$0x2], $0x80, s30, s16, $0xb8;
	[tilespmem:$0x1E800] =	vst v63  }
0x47: {  	_ =	swait.ge [sflag:s14], $0x4000  }
0x48: {  	[sflag:s14] =	ssyncset.done $0x0  }
0x49: {  	s31 =	sadd.s32 $0x100, s24;
	[sflag:s14] =	ssyncadd.s32 $0xFFFFC000  }
0x4a: {  	[tilespmem:s17], [sflag:$0x1] =	stream.indirect.gather [hbm4b:s4+s16], $0x80, s31, s16, $0xb8;
	[tilespmem:$0x1E800] =	vst v63  }
0x4b: {  	_ =	swait.ge [sflag:s19], $0x4000  }
0x4c: {  	[sflag:s19] =	ssyncset.done $0x0  }
0x4d: {  	s25 =	sadd.s32 $0x1480, s24;
	[sflag:s19] =	ssyncadd.s32 $0xFFFFC000  }
0x4e: {  	[spmem:s2] =	stream.indirect.scatter.add.f32 [tilespmem:s18], [sflag:$0x2], $0x80, s25, s16, $0xb8;
	[tilespmem:$0x1E800] =	vst v63  }
0x4f: {  	_ =	swait.ge [sflag:s14], $0x4000  }
0x50: {  	[sflag:s14] =	ssyncset.done $0x0  }
0x51: {  	[sflag:s14] =	ssyncadd.s32 $0xFFFFC000  }
0x52: {  	[tilespmem:s18], [sflag:$0x1] =	stream.indirect.gather [hbm4b:s4+s16], $0x80, s20, s16, $0xb8;
	[tilespmem:$0x1E800] =	vst v63  }
0x53: {  	_ =	swait.ge [sflag:s19], $0x4000  }
0x54: {  	[sflag:s19] =	ssyncset.done $0x0  }
0x55: {  	[sflag:s19] =	ssyncadd.s32 $0xFFFFC000  }
0x56: {  	[spmem:s2] =	stream.indirect.scatter.add.f32 [tilespmem:s17], [sflag:$0x2], $0x80, s21, s16, $0xb8;
	[tilespmem:$0x1E800] =	vst v63  }
0x57: {  	_ =	swait.ge [sflag:s14], $0x4000  }
0x58: {  	[sflag:s14] =	ssyncset.done $0x0  }
0x59: {  	[sflag:s14] =	ssyncadd.s32 $0xFFFFC000  }
0x5a: {  	_ =	swait.ge [sflag:s19], $0x4000  }
0x5b: {  	[sflag:s19] =	ssyncset.done $0x0  }
0x5c: {  	[sflag:s19] =	ssyncadd.s32 $0xFFFFC000  }
0x5d: {  	[spmem:s2] =	stream.indirect.scatter.add.f32 [tilespmem:s18], [sflag:$0x2], $0x80, s22, s16, $0xb8;
	[tilespmem:$0x1E800] =	vst v63  }
0x5e: {  	_ =	swait.ge [sflag:s14], $0x4000  }
0x5f: {  	[sflag:s14] =	ssyncset.done $0x0  }
0x60: {  	s26 =	simm.s32 $0x0;
	[sflag:s14] =	ssyncadd.s32 $0xFFFFC000  }
0x61: {  	[tilespmem:s26], [sflag:$0x2] =	stream.linear.gather [hbm4b:s9+s26], $0x1400, $0x38;
	[tilespmem:$0x1E800] =	vst v63  }
0x62: {  	_ =	swait.ge [sflag:s14], $0x1400  }
0x63: {  	[sflag:s14] =	ssyncset.done $0x0  }
0x64: {  	[sflag:s14] =	ssyncadd.s32 $0xFFFFEC00  }
0x65: {  	[tilespmem:s15], [sflag:$0x2] =	stream.linear.gather [hbm4b:s10+s26], $0x1400, $0x38;
	[tilespmem:$0x1E800] =	vst v63  }
0x66: {  	_ =	swait.ge [sflag:s14], $0x1400  }
0x67: {  	[sflag:s14] =	ssyncset.done $0x0  }
0x68: {  	[sflag:s14] =	ssyncadd.s32 $0xFFFFEC00  }
0x69: {  	[tilespmem:s17], [sflag:$0x1] =	stream.indirect.gather [hbm4b:s4+s16], $0x80, s26, s16, $0xb8;
	[tilespmem:$0x1E800] =	vst v63  }
0x6a: {  	s28 =	simm.s32 $0x80  }
0x6b: {  	[tilespmem:s18], [sflag:$0x1] =	stream.indirect.gather [hbm4b:s4+s16], $0x80, s28, s16, $0xb8;
	[tilespmem:$0x1E800] =	vst v63  }
0x6c: {  	_ =	swait.ge [sflag:s19], $0x4000  }
0x6d: {  	[sflag:s19] =	ssyncset.done $0x0  }
0x6e: {  	s29 =	simm.s32 $0x1400;
	[sflag:s19] =	ssyncadd.s32 $0xFFFFC000  }
0x6f: {  	[spmem:s2] =	stream.indirect.scatter.add.f32 [tilespmem:s17], [sflag:$0x2], $0x80, s29, s16, $0xb8;
	[tilespmem:$0x1E800] =	vst v63  }
0x70: {  	_ =	swait.ge [sflag:s14], $0x4000  }
0x71: {  	[sflag:s14] =	ssyncset.done $0x0  }
0x72: {  	s30 =	simm.s32 $0x100;
	[sflag:s14] =	ssyncadd.s32 $0xFFFFC000  }
0x73: {  	[tilespmem:s17], [sflag:$0x1] =	stream.indirect.gather [hbm4b:s4+s16], $0x80, s30, s16, $0xb8;
	[tilespmem:$0x1E800] =	vst v63  }
0x74: {  	_ =	swait.ge [sflag:s19], $0x4000  }
0x75: {  	[sflag:s19] =	ssyncset.done $0x0  }
0x76: {  	s31 =	simm.s32 $0x1480;
	[sflag:s19] =	ssyncadd.s32 $0xFFFFC000  }
0x77: {  	[spmem:s2] =	stream.indirect.scatter.add.f32 [tilespmem:s18], [sflag:$0x2], $0x80, s31, s16, $0xb8;
	[tilespmem:$0x1E800] =	vst v63  }
0x78: {  	_ =	swait.ge [sflag:s14], $0x4000  }
0x79: {  	s24 =	simm.s32 $0x100;
	s25 =	simm.s32 $0x800;
	[sflag:s14] =	ssyncset.done $0x0  }
.LBB2_4:
0x7a: {  	s26 =	sadd.s32 $0x80, s24  }
0x7b: {  	[sflag:s14] =	ssyncadd.s32 $0xFFFFC000;
	s28 =	smov.u32 s25;
	s29 =	sadd.s32 $0x400, s25  }
0x7c: {  	[tilespmem:s18], [sflag:$0x1] =	stream.indirect.gather [hbm4b:s4+s16], $0x80, s26, s16, $0xb8;
	[tilespmem:$0x1E800] =	vst v63  }
0x7d: {  	p0 =	sne.s32 s25, $0x4800;
	_ =	swait.ge [sflag:s19], $0x4000  }
0x7e: {  	[sflag:s19] =	ssyncset.done $0x0  }
0x7f: {  	s25 =	sadd.s32 $0x1400, s24;
	[sflag:s19] =	ssyncadd.s32 $0xFFFFC000  }
0x80: {  	[spmem:s2] =	stream.indirect.scatter.add.f32 [tilespmem:s17], [sflag:$0x2], $0x80, s25, s16, $0xb8;
	[tilespmem:$0x1E800] =	vst v63  }
0x81: {  	_ =	swait.ge [sflag:s14], $0x4000  }
0x82: {  	[sflag:s14] =	ssyncset.done $0x0  }
0x83: {  	s25 =	sadd.s32 $0x100, s24;
	[sflag:s14] =	ssyncadd.s32 $0xFFFFC000  }
0x84: {  	[tilespmem:s17], [sflag:$0x1] =	stream.indirect.gather [hbm4b:s4+s16], $0x80, s25, s16, $0xb8;
	[tilespmem:$0x1E800] =	vst v63  }
0x85: {  	_ =	swait.ge [sflag:s19], $0x4000  }
.Ltmp1:
0x86: {  	[sflag:s19] =	ssyncset.done $0x0;
	(pc) =	sbr.rel @p0 .LBB2_4-.Ltmp1, $4  }
0x87: {  	s24 =	sadd.s32 $0x1480, s24;
	[sflag:s19] =	ssyncadd.s32 $0xFFFFC000  }
0x88: {  	[spmem:s2] =	stream.indirect.scatter.add.f32 [tilespmem:s18], [sflag:$0x2], $0x80, s24, s16, $0xb8;
	[tilespmem:$0x1E800] =	vst v63  }
0x89: {  	_ =	swait.ge [sflag:s14], $0x4000  }
0x8a: {  	s25 =	smov.u32 s29;
	s24 =	sshra.s32 s28, $0x2;
	[sflag:s14] =	ssyncset.done $0x0  }
0x8b: {  	s25 =	sadd.s32 $0x80, s24;
	[sflag:s14] =	ssyncadd.s32 $0xFFFFC000  }
0x8c: {  	[tilespmem:s18], [sflag:$0x1] =	stream.indirect.gather [hbm4b:s4+s16], $0x80, s25, s16, $0xb8;
	[tilespmem:$0x1E800] =	vst v63  }
0x8d: {  	_ =	swait.ge [sflag:s19], $0x4000  }
0x8e: {  	[sflag:s19] =	ssyncset.done $0x0  }
0x8f: {  	s29 =	sadd.s32 $0x1400, s24;
	[sflag:s19] =	ssyncadd.s32 $0xFFFFC000  }
0x90: {  	[spmem:s2] =	stream.indirect.scatter.add.f32 [tilespmem:s17], [sflag:$0x2], $0x80, s29, s16, $0xb8;
	[tilespmem:$0x1E800] =	vst v63  }
0x91: {  	_ =	swait.ge [sflag:s14], $0x4000  }
0x92: {  	[sflag:s14] =	ssyncset.done $0x0  }
0x93: {  	s30 =	sadd.s32 $0x100, s24;
	[sflag:s14] =	ssyncadd.s32 $0xFFFFC000  }
0x94: {  	[tilespmem:s17], [sflag:$0x1] =	stream.indirect.gather [hbm4b:s4+s16], $0x80, s30, s16, $0xb8;
	[tilespmem:$0x1E800] =	vst v63  }
0x95: {  	_ =	swait.ge [sflag:s19], $0x4000  }
0x96: {  	[sflag:s19] =	ssyncset.done $0x0  }
0x97: {  	s31 =	sadd.s32 $0x1480, s24;
	[sflag:s19] =	ssyncadd.s32 $0xFFFFC000  }
0x98: {  	[spmem:s2] =	stream.indirect.scatter.add.f32 [tilespmem:s18], [sflag:$0x2], $0x80, s31, s16, $0xb8;
	[tilespmem:$0x1E800] =	vst v63  }
0x99: {  	_ =	swait.ge [sflag:s14], $0x4000  }
0x9a: {  	[sflag:s14] =	ssyncset.done $0x0  }
0x9b: {  	[sflag:s14] =	ssyncadd.s32 $0xFFFFC000  }
0x9c: {  	[tilespmem:s18], [sflag:$0x1] =	stream.indirect.gather [hbm4b:s4+s16], $0x80, s20, s16, $0xb8;
	[tilespmem:$0x1E800] =	vst v63  }
0x9d: {  	_ =	swait.ge [sflag:s19], $0x4000  }
0x9e: {  	[sflag:s19] =	ssyncset.done $0x0  }
0x9f: {  	[sflag:s19] =	ssyncadd.s32 $0xFFFFC000  }
0xa0: {  	[spmem:s2] =	stream.indirect.scatter.add.f32 [tilespmem:s17], [sflag:$0x2], $0x80, s21, s16, $0xb8;
	[tilespmem:$0x1E800] =	vst v63  }
0xa1: {  	_ =	swait.ge [sflag:s14], $0x4000  }
0xa2: {  	[sflag:s14] =	ssyncset.done $0x0  }
0xa3: {  	[sflag:s14] =	ssyncadd.s32 $0xFFFFC000  }
0xa4: {  	_ =	swait.ge [sflag:s19], $0x4000  }
0xa5: {  	[sflag:s19] =	ssyncset.done $0x0  }
0xa6: {  	[sflag:s19] =	ssyncadd.s32 $0xFFFFC000  }
0xa7: {  	[spmem:s2] =	stream.indirect.scatter.add.f32 [tilespmem:s18], [sflag:$0x2], $0x80, s22, s16, $0xb8;
	[tilespmem:$0x1E800] =	vst v63  }
0xa8: {  	_ =	swait.ge [sflag:s14], $0x4000  }
0xa9: {  	s23 =	sadd.s32 $0x1, s23;
	[sflag:s14] =	ssyncset.done $0x0  }
0xaa: {  	p0 =	sne.s32 s23, s11;
	[sflag:s14] =	ssyncadd.s32 $0xFFFFC000  }
.Ltmp2:
0xab: {  	[bflag:$0x0] =	sbarrier.arrive $0xFFFF;
	(pc) =	sbr.rel @p0 .LBB2_1-.Ltmp2, $4  }
0xac: {  	[hbm:s12], [sflag:s7] =	dma.local [spmem:s13], $0x2800  }
0xad: {  	_ =	swait.ge [sflag:s14], $0x2800  }
0xae: {  	[sflag:s14] =	ssyncset.done $0x0  }
0xaf: {  	[sflag:s14] =	ssyncadd.s32 $0xFFFFD800  }
0xb0: {  	_ =	sfence.sel $0x180000  }
0xb1: {  	[bflag:$0x0] =	sbarrier.arrive $0xFFFF  }
0xb2: {  	p0 =	sne.s32 s1, $0x0;
	_ =	strace $0x9000004A  }
0xb3: {  	s0 =	sadd.s32 @!p0 $0x100000, s0;
	[bflag:$0x2] =	sbarrier.arrive $0xFFFF  }
0xb4: {  	[sflag:s0] =	ssyncadd.tile.s32 @!p0 $0x1;
	_ =	shalt  }
.Lfunc_end2:
_tile_overlayer_lowered:
.L_overlay_start_2:
0xb5: {  	(tag) =	ssettag $0x2  }
0xb6: {  	s0 =	rddreg [dreg:$0x0];
	s2 =	stileid.u32  }
0xb7: {  	s1 =	rddreg [dreg:$0x1];
	p0 =	sne.s32 s2, $0x0  }
0xb8: {  	s3 =	rddreg [dreg:$0x2];
	[bflag:$0x3] =	sbarrier.arrive $0xFFFF;
	s2 =	simm.s32 @!p0 $0x1C02  }
0xb9: {  	[timem:s3], [sflag:s2] =	dma.local @!p0 [hbm:s0], s1  }
0xba: {  	s0 =	simm.s32 @!p0 $0x2  }
0xbb: {  	_ =	swait.ge @!p0 [sflag:s0], s1  }
0xbc: {  	s1 =	ssub.s32 @!p0 $0x0, s1;
	[sflag:s0] =	ssyncset.done @!p0 $0x0  }
0xbd: {  	[sflag:s0] =	ssyncadd.s32 @!p0 s1  }
0xbe: {  	[bflag:$0x3] =	sbarrier.arrive $0xFFFF  }
0xbf: {  	_ =	shalt  }

</sc_bundles>
